<compile_context>
chip_gen: v7x
topology: tpu7x:2x2x1
jax: 0.10.2.dev20260603
libtpu: 0.0.44.dev20260713+nightly
codegen_flags: <defaults>
</compile_context>

<pallas_src>
import functools

import jax
import jax.numpy as jnp
from jax import lax
from jax.experimental import pallas as pl
from jax.experimental.pallas import tpu as pltpu
from jax.experimental.pallas import tpu_sc as plsc

N = 50000
H = 128
E = 200000

NB = 8
BLK = N // NB
BLKP = 6272
N_PAD = NB * BLKP
EPT = 12800
E_PAD = 16 * EPT
CH = 64
SSEC = 2560
ROWS_PT = BLKP // 16
OSEC = 56
GCAP = SSEC + CH + 16


def _mm_body(x_ref, w_ref, o_ref):
    o_ref[...] = jnp.dot(x_ref[...], w_ref[...],
                         preferred_element_type=jnp.float32)


def _feat_transform(feat, w_t):
    br = 2000
    return pl.pallas_call(
        _mm_body,
        grid=(N // br,),
        in_specs=[pl.BlockSpec((br, H), lambda i: (i, 0)),
                  pl.BlockSpec((H, H), lambda i: (0, 0))],
        out_specs=pl.BlockSpec((br, H), lambda i: (i, 0)),
        out_shape=jax.ShapeDtypeStruct((N, H), jnp.float32),
    )(feat, w_t)


def _sc_agg_body(ft, src3, dst3, wt3, out3,
                 acc_sh, deg_sh,
                 sbuf, dbuf, wbuf,
                 gsrc, gdst, gw,
                 rows, cidx, degbuf, zbuf, ones16, zero16):
    c = lax.axis_index("c")
    tid = lax.axis_index("s")

    def _init(j, _):
        z16 = jnp.zeros((16,), jnp.float32)
        o16 = jnp.ones((16,), jnp.float32)
        for v in range(8):
            zbuf[j, pl.ds(v * 16, 16)] = z16
        ones16[j, :] = o16
        zero16[j, :] = z16
        return 0
    lax.fori_loop(0, CH, _init, 0)

    def relation(r, _):
        is_mean = r < 2

        def block_pass(p, _):
            blk = 4 * c + p
            lo = blk * BLK
            orow0 = blk * BLKP

            def zero_sec(s, _):
                off = pl.multiple_of(tid * ROWS_PT + s * OSEC, 8)
                pltpu.sync_copy(zbuf.at[pl.ds(0, OSEC)],
                                acc_sh.at[pl.ds(off, OSEC)])
                pltpu.sync_copy(zero16.at[pl.ds(0, OSEC)],
                                deg_sh.at[pl.ds(off, OSEC)])
                return 0
            lax.fori_loop(0, ROWS_PT // OSEC, zero_sec, 0)
            plsc.subcore_barrier()

            def scan_sec(s, _):
                soff = pl.multiple_of(tid * EPT + s * SSEC, 8)
                pltpu.sync_copy(src3.at[r, pl.ds(soff, SSEC)],
                                sbuf)
                pltpu.sync_copy(dst3.at[r, pl.ds(soff, SSEC)],
                                dbuf)
                pltpu.sync_copy(wt3.at[r, pl.ds(soff, SSEC)],
                                wbuf)

                def scan_body(j, cnt):
                    sv = sbuf[pl.ds(j * 16, 16)]
                    dv = dbuf[pl.ds(j * 16, 16)]
                    wv = wbuf[pl.ds(j * 16, 16)]
                    dl = dv - lo
                    m = (dl >= 0) & (dl < BLK)
                    mi = m.astype(jnp.int32)
                    pos = cnt + plsc.cumsum(mi) - 1
                    plsc.store_scatter(gsrc, [pos], sv, mask=m)
                    plsc.store_scatter(gdst, [pos], dl, mask=m)
                    plsc.store_scatter(gw, [pos], wv, mask=m)
                    return cnt + jnp.sum(mi)
                cnt = lax.fori_loop(0, SSEC // 16, scan_body, jnp.int32(0))

                pad_s = jnp.zeros((16,), jnp.int32)
                pad_d = jnp.full((16,), BLK, jnp.int32)
                pad_w = jnp.zeros((16,), jnp.float32)
                for q in range(CH // 16):
                    gsrc[pl.ds(cnt + q * 16, 16)] = pad_s
                    gdst[pl.ds(cnt + q * 16, 16)] = pad_d
                    gw[pl.ds(cnt + q * 16, 16)] = pad_w
                nch = (cnt + (CH - 1)) // CH

                def chunk_body(i, _):
                    base = pl.multiple_of(i * CH, CH)
                    for q in range(CH // 16):
                        cidx[0, pl.ds(q * 16, 16)] = (
                            gdst[pl.ds(base + q * 16, 16)])
                    pltpu.sync_copy(ft.at[gsrc.at[pl.ds(base, CH)]],
                                    rows.at[0])

                    def wmul(j, _):
                        wstart = base + ((j >> 4) << 4)
                        wv = gw[pl.ds(wstart, 16)]
                        dn = lax.GatherDimensionNumbers(
                            offset_dims=(), collapsed_slice_dims=(0,),
                            start_index_map=(0,))
                        ws = lax.gather(
                            wv, jnp.full((16, 1), j & 15, jnp.int32), dn,
                            (1,),
                            mode=lax.GatherScatterMode.PROMISE_IN_BOUNDS)
                        for v in range(8):
                            rows[0, j, pl.ds(v * 16, 16)] = (
                                rows[0, j, pl.ds(v * 16, 16)] * ws)
                        return 0
                    lax.fori_loop(0, CH, wmul, 0)
                    pltpu.sync_copy(rows.at[0], acc_sh.at[cidx.at[0]],
                                    add=True)

                    @pl.when(is_mean)
                    def _():
                        pltpu.sync_copy(ones16, deg_sh.at[cidx.at[0]],
                                        add=True)
                    return 0
                lax.fori_loop(0, nch, chunk_body, 0)
                return 0
            lax.fori_loop(0, EPT // SSEC, scan_sec, 0)
            plsc.subcore_barrier()

            def out_sec(s, _):
                rb = pl.multiple_of(tid * ROWS_PT + s * OSEC, 8)
                pltpu.sync_copy(acc_sh.at[pl.ds(rb, OSEC)],
                                rows.at[0, pl.ds(0, OSEC)])
                pltpu.sync_copy(deg_sh.at[pl.ds(rb, OSEC)],
                                degbuf.at[pl.ds(0, OSEC)])

                def scale_body(j, _):
                    d = degbuf[j, :]
                    rcp = jnp.where(is_mean,
                                    1.0 / jnp.maximum(d, 1.0),
                                    jnp.ones((16,), jnp.float32))
                    for v in range(8):
                        rows[0, j, pl.ds(v * 16, 16)] = (
                            rows[0, j, pl.ds(v * 16, 16)] * rcp)
                    return 0
                lax.fori_loop(0, OSEC, scale_body, 0)
                pltpu.sync_copy(rows.at[0, pl.ds(0, OSEC)],
                                out3.at[r, pl.ds(orow0 + rb, OSEC)])
                return 0
            lax.fori_loop(0, ROWS_PT // OSEC, out_sec, 0)
            plsc.subcore_barrier()
            return 0
        lax.fori_loop(0, 4, block_pass, 0)
        return 0
    lax.fori_loop(0, 3, relation, 0)


def _sc_agg(ft, src3, dst3, wt3):
    mesh = plsc.VectorSubcoreMesh(core_axis_name="c", subcore_axis_name="s")
    f = pl.kernel(
        _sc_agg_body,
        out_type=jax.ShapeDtypeStruct((3, N_PAD, H), jnp.float32),
        mesh=mesh,
        compiler_params=pltpu.CompilerParams(needs_layout_passes=False),
        scratch_types=[
            pltpu.VMEM_SHARED((BLKP, H), jnp.float32),
            pltpu.VMEM_SHARED((BLKP, 16), jnp.float32),
            pltpu.VMEM((SSEC,), jnp.int32),
            pltpu.VMEM((SSEC,), jnp.int32),
            pltpu.VMEM((SSEC,), jnp.float32),
            pltpu.VMEM((GCAP,), jnp.int32),
            pltpu.VMEM((GCAP,), jnp.int32),
            pltpu.VMEM((GCAP,), jnp.float32),
            pltpu.VMEM((1, CH, H), jnp.float32),
            pltpu.VMEM((1, CH), jnp.int32),
            pltpu.VMEM((CH, 16), jnp.float32),
            pltpu.VMEM((CH, H), jnp.float32),
            pltpu.VMEM((CH, 16), jnp.float32),
            pltpu.VMEM((CH, 16), jnp.float32),
        ],
    )
    return f(ft, src3, dst3, wt3)


def _attn_body(g_ref, t_ref, c_ref, w1_ref, b1_ref, w2_ref, o_ref):
    @pl.when(pl.program_id(0) == 0)
    def _():
        o_ref[...] = jnp.zeros_like(o_ref)
    for k, ref in enumerate((g_ref, t_ref, c_ref)):
        h = jnp.tanh(jnp.dot(ref[...], w1_ref[...],
                             preferred_element_type=jnp.float32) + b1_ref[...])
        s = jnp.sum(jnp.sum(h, axis=0, keepdims=True) * w2_ref[...])
        o_ref[pl.ds(k, 1), :] = o_ref[pl.ds(k, 1), :] + s


def _attn_sums(geo, trans, cat, w1t, b1r, w2r):
    br = 2000
    return pl.pallas_call(
        _attn_body,
        grid=(N // br,),
        in_specs=[pl.BlockSpec((br, H), lambda i: (i, 0)),
                  pl.BlockSpec((br, H), lambda i: (i, 0)),
                  pl.BlockSpec((br, H), lambda i: (i, 0)),
                  pl.BlockSpec((H, 4 * H), lambda i: (0, 0)),
                  pl.BlockSpec((1, 4 * H), lambda i: (0, 0)),
                  pl.BlockSpec((1, 4 * H), lambda i: (0, 0))],
        out_specs=pl.BlockSpec((8, H), lambda i: (0, 0)),
        out_shape=jax.ShapeDtypeStruct((8, H), jnp.float32),
    )(geo, trans, cat, w1t, b1r, w2r)


def _fuse_body(g_ref, t_ref, c_ref, ws_ref, o_ref):
    wm = ws_ref[0:3, :] * (1.0 / N)
    mx = jnp.max(wm, axis=0, keepdims=True)
    e = jnp.exp(wm - mx)
    beta = e / jnp.sum(e, axis=0, keepdims=True)
    f = (beta[0:1, 0:1] * g_ref[...] + beta[1:2, 0:1] * t_ref[...]
         + beta[2:3, 0:1] * c_ref[...])
    o_ref[...] = jnp.where(f > 0, f, 0.2 * f)


def _fuse(geo, trans, cat, wsums):
    br = 2000
    return pl.pallas_call(
        _fuse_body,
        grid=(N // br,),
        in_specs=[pl.BlockSpec((br, H), lambda i: (i, 0)),
                  pl.BlockSpec((br, H), lambda i: (i, 0)),
                  pl.BlockSpec((br, H), lambda i: (i, 0)),
                  pl.BlockSpec((8, H), lambda i: (0, 0))],
        out_specs=pl.BlockSpec((br, H), lambda i: (i, 0)),
        out_shape=jax.ShapeDtypeStruct((N, H), jnp.float32),
    )(geo, trans, cat, wsums)


def kernel(feat, edge_index_geo, edge_index_cat, edge_index_trans,
           edge_weight_trans, W_tran, W1, b1, W2):
    ft = _feat_transform(feat, W_tran.T)

    npad = E_PAD - E
    def pads(ei, fill):
        return jnp.concatenate([ei.astype(jnp.int32),
                                jnp.full((npad,), fill, jnp.int32)])
    src3 = jnp.stack([pads(edge_index_geo[0], 0),
                      pads(edge_index_cat[0], 0),
                      pads(edge_index_trans[0], 0)])
    dst3 = jnp.stack([pads(edge_index_geo[1], N),
                      pads(edge_index_cat[1], N),
                      pads(edge_index_trans[1], N)])
    one_w = jnp.ones((E_PAD,), jnp.float32)
    wt3 = jnp.stack([one_w, one_w,
                     jnp.concatenate([edge_weight_trans,
                                      jnp.zeros((npad,), jnp.float32)])])

    agg = _sc_agg(ft, src3, dst3, wt3)
    def unpad(x):
        return x.reshape(NB, BLKP, H)[:, :BLK, :].reshape(NB * BLK, H)[:N]
    geo, cat, trans = unpad(agg[0]), unpad(agg[1]), unpad(agg[2])

    wsums = _attn_sums(geo, trans, cat, W1.T,
                       b1.reshape(1, 4 * H), W2.reshape(1, 4 * H))
    return _fuse(geo, trans, cat, wsums)

# --- scband reference (transcript-rebuilt; emitter-appended) ---
"""Pipeline reference for scband-geo-gcnlayer-48893907697759 (READ-ONLY COPY).

The authoritative reference and input builder live on the scoring server;
editing this copy changes nothing except your own understanding.
"""

import jax, jax.numpy as jnp
import numpy as np

N_NODES = 50000
HIDDEN = 128
E_PER_REL = 200000


def setup_inputs(seed: int = 0) -> dict:
    key = jax.random.key(seed)
    ks = jax.random.split(key, 10)
    feat = jax.random.normal(ks[0], (N_NODES, HIDDEN), dtype=jnp.float32)
    edge_index_geo = jax.random.randint(ks[1], (2, E_PER_REL), 0, N_NODES, dtype=jnp.int64 if jax.config.read('jax_enable_x64') else jnp.int32)
    edge_index_cat = jax.random.randint(ks[2], (2, E_PER_REL), 0, N_NODES, dtype=edge_index_geo.dtype)
    edge_index_trans = jax.random.randint(ks[3], (2, E_PER_REL), 0, N_NODES, dtype=edge_index_geo.dtype)
    edge_weight_trans = jax.random.uniform(ks[4], (E_PER_REL,), dtype=jnp.float32)
    # learned params
    # feat_tran: Linear(hidden, hidden, bias=False), xavier_uniform gain=1.414
    gain = 1.414
    bound = gain * np.sqrt(6.0 / (HIDDEN + HIDDEN))
    W_tran = jax.random.uniform(ks[5], (HIDDEN, HIDDEN), dtype=jnp.float32, minval=-bound, maxval=bound)
    # SemanticAttention: Linear(hidden, 4*hidden) + Tanh + Linear(4*hidden, 1, bias=False)
    h4 = 4 * HIDDEN
    b1lim = 1.0 / np.sqrt(HIDDEN)
    W1 = jax.random.uniform(ks[6], (h4, HIDDEN), dtype=jnp.float32, minval=-b1lim, maxval=b1lim)
    b1 = jax.random.uniform(ks[7], (h4,), dtype=jnp.float32, minval=-b1lim, maxval=b1lim)
    b2lim = 1.0 / np.sqrt(h4)
    W2 = jax.random.uniform(ks[8], (1, h4), dtype=jnp.float32, minval=-b2lim, maxval=b2lim)
    return {
        'feat': feat,
        'edge_index_geo': edge_index_geo,
        'edge_index_cat': edge_index_cat,
        'edge_index_trans': edge_index_trans,
        'edge_weight_trans': edge_weight_trans,
        'W_tran': W_tran,
        'W1': W1,
        'b1': b1,
        'W2': W2,
    }


def _segment_mean(msgs, dst, n):
    s = jax.ops.segment_sum(msgs, dst, num_segments=n)
    deg = jax.ops.segment_sum(jnp.ones((msgs.shape[0],), dtype=msgs.dtype), dst, num_segments=n)
    return s / jnp.maximum(deg, 1.0)[:, None]


def reference(feat, edge_index_geo, edge_index_cat, edge_index_trans, edge_weight_trans, W_tran, W1, b1, W2):
    n = feat.shape[0]
    # is_lightgcn=False -> linear transform (no bias)
    feat_t = feat @ W_tran.T
    # relation 'geo': copy_u -> mean over dst
    src_g, dst_g = edge_index_geo[0], edge_index_geo[1]
    geo = _segment_mean(jnp.take(feat_t, src_g, axis=0), dst_g, n)
    # relation 'cat': copy_u -> mean over dst
    src_c, dst_c = edge_index_cat[0], edge_index_cat[1]
    cat = _segment_mean(jnp.take(feat_t, src_c, axis=0), dst_c, n)
    # relation 'trans': u_mul_e(w) -> sum over dst
    src_t, dst_t = edge_index_trans[0], edge_index_trans[1]
    trans = jax.ops.segment_sum(jnp.take(feat_t, src_t, axis=0) * edge_weight_trans[:, None], dst_t, num_segments=n)
    # is_att=True -> semantic attention fusion over [geo, trans, cat]
    z = jnp.stack([geo, trans, cat], axis=1)  # [N, 3, H]
    h = jnp.tanh(jnp.einsum('nkh,oh->nko', z, W1) + b1)  # [N, 3, 4H]
    s = jnp.einsum('nko,po->nkp', h, W2)  # [N, 3, 1]
    w_mean = s.mean(axis=0)  # [3, 1]
    beta = jax.nn.softmax(w_mean, axis=0)  # [3, 1]
    fused = (beta[None, :, :] * z).sum(axis=1)  # [N, H]
    # is_sgc=False -> LeakyReLU(0.2)
    return jnp.where(fused > 0, fused, 0.2 * fused)

if __name__ == "__main__":
    import jax
    _d = setup_inputs()
    print(jax.jit(kernel)(*tuple(_d.values())))

</pallas_src>

<mosaic_0001>
#map = affine_map<(d0, d1) -> (0, 0)>
#map1 = affine_map<(d0, d1) -> (0, 0, 0)>
module attributes {stable_mosaic.version = 14 : i64} {
  func.func @_sc_agg_body(%arg0: i32, %arg1: i32, %arg2: memref<50000x128xf32, #tpu.memory_space<hbm>>, %arg3: memref<3x204800xi32, #tpu.memory_space<hbm>>, %arg4: memref<3x204800xi32, #tpu.memory_space<hbm>>, %arg5: memref<3x204800xf32, #tpu.memory_space<hbm>>, %arg6: memref<3x50176x128xf32, #tpu.memory_space<hbm>>, %arg7: memref<6272x128xf32, #tpu.memory_space<vmem_shared>>, %arg8: memref<6272x16xf32, #tpu.memory_space<vmem_shared>>, %arg9: memref<2560xi32, #tpu.memory_space<vmem>>, %arg10: memref<2560xi32, #tpu.memory_space<vmem>>, %arg11: memref<2560xf32, #tpu.memory_space<vmem>>, %arg12: memref<2640xi32, #tpu.memory_space<vmem>>, %arg13: memref<2640xi32, #tpu.memory_space<vmem>>, %arg14: memref<2640xf32, #tpu.memory_space<vmem>>, %arg15: memref<1x64x128xf32, #tpu.memory_space<vmem>>, %arg16: memref<1x64xi32, #tpu.memory_space<vmem>>, %arg17: memref<64x16xf32, #tpu.memory_space<vmem>>, %arg18: memref<64x128xf32, #tpu.memory_space<vmem>>, %arg19: memref<64x16xf32, #tpu.memory_space<vmem>>, %arg20: memref<64x16xf32, #tpu.memory_space<vmem>>) attributes {dimension_semantics = [#tpu.dimension_semantics<core_parallel>, #tpu.dimension_semantics<subcore_parallel>], iteration_bounds = array<i64: 2, 16>, scalar_prefetch = 0 : i64, scratch_operands = 14 : i64, tpu.core_type = #tpu.core_type<sc_vector_subcore>, window_params = [{transform_indices = #map}, {transform_indices = #map}, {transform_indices = #map}, {transform_indices = #map}, {transform_indices = #map1}]} {
    %scan3A = arith.constant 0 : i32
    %scan3A_0 = arith.constant 0 : i32
    %scan3A_1 = arith.constant 64 : i32
    %scan3A_2 = arith.addi %scan3A_0, %scan3A_1 : i32
    %scan3A_3 = arith.constant 1 : i32
    %scan3A_4 = scf.for %scan3A_13 = %scan3A_0 to %scan3A_2 step %scan3A_3 iter_args(%scan3A_14 = %scan3A) -> (i32)  : i32 {
      %broadcast_in_dim3A = arith.constant 0.000000e+00 : f32
      %broadcast_in_dim3A_15 = vector.broadcast %broadcast_in_dim3A : f32 to vector<16xf32>
      %broadcast_in_dim3A_16 = arith.constant 1.000000e+00 : f32
      %broadcast_in_dim3A_17 = vector.broadcast %broadcast_in_dim3A_16 : f32 to vector<16xf32>
      %swap3A = arith.index_cast %scan3A_13 : i32 to index
      %swap3A_18 = arith.constant 0 : index
      %swap3A_19 = tpu.vector_load %arg18[%swap3A, %swap3A_18] {strides = array<i32>} : memref<64x128xf32, #tpu.memory_space<vmem>>, vector<16xf32>,
      tpu.vector_store %arg18[%swap3A, %swap3A_18], %broadcast_in_dim3A_15 {strides = array<i32>} : memref<64x128xf32, #tpu.memory_space<vmem>>, vector<16xf32>,
      %swap3A_20 = arith.index_cast %scan3A_13 : i32 to index
      %swap3A_21 = arith.constant 16 : index
      %swap3A_22 = tpu.vector_load %arg18[%swap3A_20, %swap3A_21] {strides = array<i32>} : memref<64x128xf32, #tpu.memory_space<vmem>>, vector<16xf32>,
      tpu.vector_store %arg18[%swap3A_20, %swap3A_21], %broadcast_in_dim3A_15 {strides = array<i32>} : memref<64x128xf32, #tpu.memory_space<vmem>>, vector<16xf32>,
      %swap3A_23 = arith.index_cast %scan3A_13 : i32 to index
      %swap3A_24 = arith.constant 32 : index
      %swap3A_25 = tpu.vector_load %arg18[%swap3A_23, %swap3A_24] {strides = array<i32>} : memref<64x128xf32, #tpu.memory_space<vmem>>, vector<16xf32>,
      tpu.vector_store %arg18[%swap3A_23, %swap3A_24], %broadcast_in_dim3A_15 {strides = array<i32>} : memref<64x128xf32, #tpu.memory_space<vmem>>, vector<16xf32>,
      %swap3A_26 = arith.index_cast %scan3A_13 : i32 to index
      %swap3A_27 = arith.constant 48 : index
      %swap3A_28 = tpu.vector_load %arg18[%swap3A_26, %swap3A_27] {strides = array<i32>} : memref<64x128xf32, #tpu.memory_space<vmem>>, vector<16xf32>,
      tpu.vector_store %arg18[%swap3A_26, %swap3A_27], %broadcast_in_dim3A_15 {strides = array<i32>} : memref<64x128xf32, #tpu.memory_space<vmem>>, vector<16xf32>,
      %swap3A_29 = arith.index_cast %scan3A_13 : i32 to index
      %swap3A_30 = arith.constant 64 : index
      %swap3A_31 = tpu.vector_load %arg18[%swap3A_29, %swap3A_30] {strides = array<i32>} : memref<64x128xf32, #tpu.memory_space<vmem>>, vector<16xf32>,
      tpu.vector_store %arg18[%swap3A_29, %swap3A_30], %broadcast_in_dim3A_15 {strides = array<i32>} : memref<64x128xf32, #tpu.memory_space<vmem>>, vector<16xf32>,
      %swap3A_32 = arith.index_cast %scan3A_13 : i32 to index
      %swap3A_33 = arith.constant 80 : index
      %swap3A_34 = tpu.vector_load %arg18[%swap3A_32, %swap3A_33] {strides = array<i32>} : memref<64x128xf32, #tpu.memory_space<vmem>>, vector<16xf32>,
      tpu.vector_store %arg18[%swap3A_32, %swap3A_33], %broadcast_in_dim3A_15 {strides = array<i32>} : memref<64x128xf32, #tpu.memory_space<vmem>>, vector<16xf32>,
      %swap3A_35 = arith.index_cast %scan3A_13 : i32 to index
      %swap3A_36 = arith.constant 96 : index
      %swap3A_37 = tpu.vector_load %arg18[%swap3A_35, %swap3A_36] {strides = array<i32>} : memref<64x128xf32, #tpu.memory_space<vmem>>, vector<16xf32>,
      tpu.vector_store %arg18[%swap3A_35, %swap3A_36], %broadcast_in_dim3A_15 {strides = array<i32>} : memref<64x128xf32, #tpu.memory_space<vmem>>, vector<16xf32>,
      %swap3A_38 = arith.index_cast %scan3A_13 : i32 to index
      %swap3A_39 = arith.constant 112 : index
      %swap3A_40 = tpu.vector_load %arg18[%swap3A_38, %swap3A_39] {strides = array<i32>} : memref<64x128xf32, #tpu.memory_space<vmem>>, vector<16xf32>,
      tpu.vector_store %arg18[%swap3A_38, %swap3A_39], %broadcast_in_dim3A_15 {strides = array<i32>} : memref<64x128xf32, #tpu.memory_space<vmem>>, vector<16xf32>,
      %swap3A_41 = arith.index_cast %scan3A_13 : i32 to index
      %swap3A_42 = arith.constant 0 : index
      %swap3A_43 = tpu.vector_load %arg19[%swap3A_41, %swap3A_42] {strides = array<i32>} : memref<64x16xf32, #tpu.memory_space<vmem>>, vector<16xf32>,
      tpu.vector_store %arg19[%swap3A_41, %swap3A_42], %broadcast_in_dim3A_17 {strides = array<i32>} : memref<64x16xf32, #tpu.memory_space<vmem>>, vector<16xf32>,
      %swap3A_44 = arith.index_cast %scan3A_13 : i32 to index
      %swap3A_45 = arith.constant 0 : index
      %swap3A_46 = tpu.vector_load %arg20[%swap3A_44, %swap3A_45] {strides = array<i32>} : memref<64x16xf32, #tpu.memory_space<vmem>>, vector<16xf32>,
      tpu.vector_store %arg20[%swap3A_44, %swap3A_45], %broadcast_in_dim3A_15 {strides = array<i32>} : memref<64x16xf32, #tpu.memory_space<vmem>>, vector<16xf32>,
      %scan3A_47 = arith.constant 0 : i32
      scf.yield %scan3A_47 : i32
    }
    %scan3A_5 = arith.constant 64 : i32
    %scan3A_6 = arith.constant 0 : i32
    %scan3A_7 = arith.constant 0 : i32
    %scan3A_8 = arith.constant 3 : i32
    %scan3A_9 = arith.addi %scan3A_7, %scan3A_8 : i32
    %scan3A_10 = arith.constant 1 : i32
    %scan3A_11 = scf.for %scan3A_13 = %scan3A_7 to %scan3A_9 step %scan3A_10 iter_args(%scan3A_14 = %scan3A_6) -> (i32)  : i32 {
      %lt3A = arith.constant 2 : i32
      %lt3A_15 = arith.cmpi slt, %scan3A_13, %lt3A : i32
      %scan3A_16 = arith.constant 0 : i32
      %scan3A_17 = arith.constant 0 : i32
      %scan3A_18 = arith.constant 4 : i32
      %scan3A_19 = arith.addi %scan3A_17, %scan3A_18 : i32
      %scan3A_20 = arith.constant 1 : i32
      %scan3A_21 = scf.for %scan3A_24 = %scan3A_17 to %scan3A_19 step %scan3A_20 iter_args(%scan3A_25 = %scan3A_16) -> (i32)  : i32 {
        %mul3A = arith.constant 4 : i32
        %mul3A_26 = arith.muli %mul3A, %arg0 : i32
        %add3A = arith.addi %mul3A_26, %scan3A_24 : i32
        %mul3A_27 = arith.constant 6250 : i32
        %mul3A_28 = arith.muli %add3A, %mul3A_27 : i32
        %mul3A_29 = arith.constant 6272 : i32
        %mul3A_30 = arith.muli %add3A, %mul3A_29 : i32
        %scan3A_31 = arith.constant 0 : i32
        %scan3A_32 = arith.constant 0 : i32
        %scan3A_33 = arith.constant 7 : i32
        %scan3A_34 = arith.addi %scan3A_32, %scan3A_33 : i32
        %scan3A_35 = arith.constant 1 : i32
        %scan3A_36 = scf.for %scan3A_55 = %scan3A_32 to %scan3A_34 step %scan3A_35 iter_args(%scan3A_56 = %scan3A_31) -> (i32)  : i32 {
          %mul3A_57 = arith.constant 392 : i32
          %mul3A_58 = arith.muli %arg1, %mul3A_57 : i32
          %mul3A_59 = arith.constant 56 : i32
          %mul3A_60 = arith.muli %scan3A_55, %mul3A_59 : i32
          %add3A_61 = arith.addi %mul3A_58, %mul3A_60 : i32
          %multiple_of3A = tpu.assume_multiple %add3A_61, 8 : i32
          "tpu.region"() ({
            %run_scoped3A = tpu.sem_alloc : memref<!tpu.dma_semaphore, #tpu.memory_space<semaphore_mem>>
            %dma_start3A = arith.constant 0 : i32
            %dma_start3A_63 = arith.constant 0 : i32
            %dma_start3A_64 = tpu.memref_slice %arg18[%dma_start3A, %dma_start3A_63] : memref<64x128xf32, #tpu.memory_space<vmem>> -> memref<56x128xf32, #tpu.memory_space<vmem>>
            %dma_start3A_65 = arith.constant 0 : i32
            %dma_start3A_66 = tpu.memref_slice %arg7[%multiple_of3A, %dma_start3A_65] : memref<6272x128xf32, #tpu.memory_space<vmem_shared>> -> memref<56x128xf32, #tpu.memory_space<vmem_shared>>
            %dma_start3A_67 = arith.constant 0 : i32
            %dma_start3A_68 = tpu.memref_slice %arg7[%multiple_of3A, %dma_start3A_67] : memref<6272x128xf32, #tpu.memory_space<vmem_shared>> -> memref<56x128xf32, #tpu.memory_space<vmem_shared>>
            %dma_start3A_69 = arith.constant 0 : i32
            %dma_start3A_70 = arith.constant 0 : i32
            %dma_start3A_71 = tpu.memref_slice %arg18[%dma_start3A_69, %dma_start3A_70] : memref<64x128xf32, #tpu.memory_space<vmem>> -> memref<56x128xf32, #tpu.memory_space<vmem>>
            tpu.enqueue_dma source(%dma_start3A_71 : memref<56x128xf32, #tpu.memory_space<vmem>>) target(%dma_start3A_68 : memref<56x128xf32, #tpu.memory_space<vmem_shared>>) target_semaphore(%run_scoped3A : memref<!tpu.dma_semaphore, #tpu.memory_space<semaphore_mem>>)
            %dma_wait3A = arith.constant 0 : i32
            %dma_wait3A_72 = arith.constant 0 : i32
            %dma_wait3A_73 = tpu.memref_slice %arg18[%dma_wait3A, %dma_wait3A_72] : memref<64x128xf32, #tpu.memory_space<vmem>> -> memref<56x128xf32, #tpu.memory_space<vmem>>
            %dma_wait3A_74 = arith.constant 0 : i32
            %dma_wait3A_75 = tpu.memref_slice %arg7[%multiple_of3A, %dma_wait3A_74] : memref<6272x128xf32, #tpu.memory_space<vmem_shared>> -> memref<56x128xf32, #tpu.memory_space<vmem_shared>>
            %dma_wait3A_76 = arith.constant 0 : i32
            %dma_wait3A_77 = tpu.memref_slice %arg7[%multiple_of3A, %dma_wait3A_76] : memref<6272x128xf32, #tpu.memory_space<vmem_shared>> -> memref<56x128xf32, #tpu.memory_space<vmem_shared>>
            %dma_wait3A_78 = arith.constant 0 : i32
            %dma_wait3A_79 = arith.constant 0 : i32
            %dma_wait3A_80 = tpu.memref_slice %arg18[%dma_wait3A_78, %dma_wait3A_79] : memref<64x128xf32, #tpu.memory_space<vmem>> -> memref<56x128xf32, #tpu.memory_space<vmem>>
            tpu.wait_dma2 semaphore(%run_scoped3A : memref<!tpu.dma_semaphore, #tpu.memory_space<semaphore_mem>>) src(%dma_wait3A_80 : memref<56x128xf32, #tpu.memory_space<vmem>>) dst(%dma_wait3A_77 : memref<56x128xf32, #tpu.memory_space<vmem_shared>>)
            tpu.yield
          }) : () -> ()
          "tpu.region"() ({
            %run_scoped3A = tpu.sem_alloc : memref<!tpu.dma_semaphore, #tpu.memory_space<semaphore_mem>>
            %dma_start3A = arith.constant 0 : i32
            %dma_start3A_63 = arith.constant 0 : i32
            %dma_start3A_64 = tpu.memref_slice %arg20[%dma_start3A, %dma_start3A_63] : memref<64x16xf32, #tpu.memory_space<vmem>> -> memref<56x16xf32, #tpu.memory_space<vmem>>
            %dma_start3A_65 = arith.constant 0 : i32
            %dma_start3A_66 = tpu.memref_slice %arg8[%multiple_of3A, %dma_start3A_65] : memref<6272x16xf32, #tpu.memory_space<vmem_shared>> -> memref<56x16xf32, #tpu.memory_space<vmem_shared>>
            %dma_start3A_67 = arith.constant 0 : i32
            %dma_start3A_68 = tpu.memref_slice %arg8[%multiple_of3A, %dma_start3A_67] : memref<6272x16xf32, #tpu.memory_space<vmem_shared>> -> memref<56x16xf32, #tpu.memory_space<vmem_shared>>
            %dma_start3A_69 = arith.constant 0 : i32
            %dma_start3A_70 = arith.constant 0 : i32
            %dma_start3A_71 = tpu.memref_slice %arg20[%dma_start3A_69, %dma_start3A_70] : memref<64x16xf32, #tpu.memory_space<vmem>> -> memref<56x16xf32, #tpu.memory_space<vmem>>
            tpu.enqueue_dma source(%dma_start3A_71 : memref<56x16xf32, #tpu.memory_space<vmem>>) target(%dma_start3A_68 : memref<56x16xf32, #tpu.memory_space<vmem_shared>>) target_semaphore(%run_scoped3A : memref<!tpu.dma_semaphore, #tpu.memory_space<semaphore_mem>>)
            %dma_wait3A = arith.constant 0 : i32
            %dma_wait3A_72 = arith.constant 0 : i32
            %dma_wait3A_73 = tpu.memref_slice %arg20[%dma_wait3A, %dma_wait3A_72] : memref<64x16xf32, #tpu.memory_space<vmem>> -> memref<56x16xf32, #tpu.memory_space<vmem>>
            %dma_wait3A_74 = arith.constant 0 : i32
            %dma_wait3A_75 = tpu.memref_slice %arg8[%multiple_of3A, %dma_wait3A_74] : memref<6272x16xf32, #tpu.memory_space<vmem_shared>> -> memref<56x16xf32, #tpu.memory_space<vmem_shared>>
            %dma_wait3A_76 = arith.constant 0 : i32
            %dma_wait3A_77 = tpu.memref_slice %arg8[%multiple_of3A, %dma_wait3A_76] : memref<6272x16xf32, #tpu.memory_space<vmem_shared>> -> memref<56x16xf32, #tpu.memory_space<vmem_shared>>
            %dma_wait3A_78 = arith.constant 0 : i32
            %dma_wait3A_79 = arith.constant 0 : i32
            %dma_wait3A_80 = tpu.memref_slice %arg20[%dma_wait3A_78, %dma_wait3A_79] : memref<64x16xf32, #tpu.memory_space<vmem>> -> memref<56x16xf32, #tpu.memory_space<vmem>>
            tpu.wait_dma2 semaphore(%run_scoped3A : memref<!tpu.dma_semaphore, #tpu.memory_space<semaphore_mem>>) src(%dma_wait3A_80 : memref<56x16xf32, #tpu.memory_space<vmem>>) dst(%dma_wait3A_77 : memref<56x16xf32, #tpu.memory_space<vmem_shared>>)
            tpu.yield
          }) : () -> ()
          %scan3A_62 = arith.constant 0 : i32
          scf.yield %scan3A_62 : i32
        }
        %scan3A_37 = arith.constant 7 : i32
        %barrier3A = arith.constant 0 : index
        tpu.barrier barrier_id(%barrier3A)
        %scan3A_38 = arith.constant 0 : i32
        %scan3A_39 = arith.constant 0 : i32
        %scan3A_40 = arith.constant 5 : i32
        %scan3A_41 = arith.addi %scan3A_39, %scan3A_40 : i32
        %scan3A_42 = arith.constant 1 : i32
        %scan3A_43 = scf.for %scan3A_55 = %scan3A_39 to %scan3A_41 step %scan3A_42 iter_args(%scan3A_56 = %scan3A_38) -> (i32)  : i32 {
          %mul3A_57 = arith.constant 12800 : i32
          %mul3A_58 = arith.muli %arg1, %mul3A_57 : i32
          %mul3A_59 = arith.constant 2560 : i32
          %mul3A_60 = arith.muli %scan3A_55, %mul3A_59 : i32
          %add3A_61 = arith.addi %mul3A_58, %mul3A_60 : i32
          %multiple_of3A = tpu.assume_multiple %add3A_61, 8 : i32
          "tpu.region"() ({
            %run_scoped3A = tpu.sem_alloc : memref<!tpu.dma_semaphore, #tpu.memory_space<semaphore_mem>>
            %dma_start3A = tpu.memref_slice %arg3[%scan3A_13, %multiple_of3A] : memref<3x204800xi32, #tpu.memory_space<hbm>> -> memref<1x2560xi32, #tpu.memory_space<hbm>>
            %dma_start3A_151 = tpu.memref_squeeze %dma_start3A : memref<1x2560xi32, #tpu.memory_space<hbm>> -> memref<2560xi32, #tpu.memory_space<hbm>>
            %dma_start3A_152 = tpu.memref_slice %arg3[%scan3A_13, %multiple_of3A] : memref<3x204800xi32, #tpu.memory_space<hbm>> -> memref<1x2560xi32, #tpu.memory_space<hbm>>
            %dma_start3A_153 = tpu.memref_squeeze %dma_start3A_152 : memref<1x2560xi32, #tpu.memory_space<hbm>> -> memref<2560xi32, #tpu.memory_space<hbm>>
            tpu.enqueue_dma source(%dma_start3A_153 : memref<2560xi32, #tpu.memory_space<hbm>>) target(%arg9 : memref<2560xi32, #tpu.memory_space<vmem>>) target_semaphore(%run_scoped3A : memref<!tpu.dma_semaphore, #tpu.memory_space<semaphore_mem>>)
            %dma_wait3A = tpu.memref_slice %arg3[%scan3A_13, %multiple_of3A] : memref<3x204800xi32, #tpu.memory_space<hbm>> -> memref<1x2560xi32, #tpu.memory_space<hbm>>
            %dma_wait3A_154 = tpu.memref_squeeze %dma_wait3A : memref<1x2560xi32, #tpu.memory_space<hbm>> -> memref<2560xi32, #tpu.memory_space<hbm>>
            %dma_wait3A_155 = tpu.memref_slice %arg3[%scan3A_13, %multiple_of3A] : memref<3x204800xi32, #tpu.memory_space<hbm>> -> memref<1x2560xi32, #tpu.memory_space<hbm>>
            %dma_wait3A_156 = tpu.memref_squeeze %dma_wait3A_155 : memref<1x2560xi32, #tpu.memory_space<hbm>> -> memref<2560xi32, #tpu.memory_space<hbm>>
            tpu.wait_dma2 semaphore(%run_scoped3A : memref<!tpu.dma_semaphore, #tpu.memory_space<semaphore_mem>>) src(%dma_wait3A_156 : memref<2560xi32, #tpu.memory_space<hbm>>) dst(%arg9 : memref<2560xi32, #tpu.memory_space<vmem>>)
            tpu.yield
          }) : () -> ()
          "tpu.region"() ({
            %run_scoped3A = tpu.sem_alloc : memref<!tpu.dma_semaphore, #tpu.memory_space<semaphore_mem>>
            %dma_start3A = tpu.memref_slice %arg4[%scan3A_13, %multiple_of3A] : memref<3x204800xi32, #tpu.memory_space<hbm>> -> memref<1x2560xi32, #tpu.memory_space<hbm>>
            %dma_start3A_151 = tpu.memref_squeeze %dma_start3A : memref<1x2560xi32, #tpu.memory_space<hbm>> -> memref<2560xi32, #tpu.memory_space<hbm>>
            %dma_start3A_152 = tpu.memref_slice %arg4[%scan3A_13, %multiple_of3A] : memref<3x204800xi32, #tpu.memory_space<hbm>> -> memref<1x2560xi32, #tpu.memory_space<hbm>>
            %dma_start3A_153 = tpu.memref_squeeze %dma_start3A_152 : memref<1x2560xi32, #tpu.memory_space<hbm>> -> memref<2560xi32, #tpu.memory_space<hbm>>
            tpu.enqueue_dma source(%dma_start3A_153 : memref<2560xi32, #tpu.memory_space<hbm>>) target(%arg10 : memref<2560xi32, #tpu.memory_space<vmem>>) target_semaphore(%run_scoped3A : memref<!tpu.dma_semaphore, #tpu.memory_space<semaphore_mem>>)
            %dma_wait3A = tpu.memref_slice %arg4[%scan3A_13, %multiple_of3A] : memref<3x204800xi32, #tpu.memory_space<hbm>> -> memref<1x2560xi32, #tpu.memory_space<hbm>>
            %dma_wait3A_154 = tpu.memref_squeeze %dma_wait3A : memref<1x2560xi32, #tpu.memory_space<hbm>> -> memref<2560xi32, #tpu.memory_space<hbm>>
            %dma_wait3A_155 = tpu.memref_slice %arg4[%scan3A_13, %multiple_of3A] : memref<3x204800xi32, #tpu.memory_space<hbm>> -> memref<1x2560xi32, #tpu.memory_space<hbm>>
            %dma_wait3A_156 = tpu.memref_squeeze %dma_wait3A_155 : memref<1x2560xi32, #tpu.memory_space<hbm>> -> memref<2560xi32, #tpu.memory_space<hbm>>
            tpu.wait_dma2 semaphore(%run_scoped3A : memref<!tpu.dma_semaphore, #tpu.memory_space<semaphore_mem>>) src(%dma_wait3A_156 : memref<2560xi32, #tpu.memory_space<hbm>>) dst(%arg10 : memref<2560xi32, #tpu.memory_space<vmem>>)
            tpu.yield
          }) : () -> ()
          "tpu.region"() ({
            %run_scoped3A = tpu.sem_alloc : memref<!tpu.dma_semaphore, #tpu.memory_space<semaphore_mem>>
            %dma_start3A = tpu.memref_slice %arg5[%scan3A_13, %multiple_of3A] : memref<3x204800xf32, #tpu.memory_space<hbm>> -> memref<1x2560xf32, #tpu.memory_space<hbm>>
            %dma_start3A_151 = tpu.memref_squeeze %dma_start3A : memref<1x2560xf32, #tpu.memory_space<hbm>> -> memref<2560xf32, #tpu.memory_space<hbm>>
            %dma_start3A_152 = tpu.memref_slice %arg5[%scan3A_13, %multiple_of3A] : memref<3x204800xf32, #tpu.memory_space<hbm>> -> memref<1x2560xf32, #tpu.memory_space<hbm>>
            %dma_start3A_153 = tpu.memref_squeeze %dma_start3A_152 : memref<1x2560xf32, #tpu.memory_space<hbm>> -> memref<2560xf32, #tpu.memory_space<hbm>>
            tpu.enqueue_dma source(%dma_start3A_153 : memref<2560xf32, #tpu.memory_space<hbm>>) target(%arg11 : memref<2560xf32, #tpu.memory_space<vmem>>) target_semaphore(%run_scoped3A : memref<!tpu.dma_semaphore, #tpu.memory_space<semaphore_mem>>)
            %dma_wait3A = tpu.memref_slice %arg5[%scan3A_13, %multiple_of3A] : memref<3x204800xf32, #tpu.memory_space<hbm>> -> memref<1x2560xf32, #tpu.memory_space<hbm>>
            %dma_wait3A_154 = tpu.memref_squeeze %dma_wait3A : memref<1x2560xf32, #tpu.memory_space<hbm>> -> memref<2560xf32, #tpu.memory_space<hbm>>
            %dma_wait3A_155 = tpu.memref_slice %arg5[%scan3A_13, %multiple_of3A] : memref<3x204800xf32, #tpu.memory_space<hbm>> -> memref<1x2560xf32, #tpu.memory_space<hbm>>
            %dma_wait3A_156 = tpu.memref_squeeze %dma_wait3A_155 : memref<1x2560xf32, #tpu.memory_space<hbm>> -> memref<2560xf32, #tpu.memory_space<hbm>>
            tpu.wait_dma2 semaphore(%run_scoped3A : memref<!tpu.dma_semaphore, #tpu.memory_space<semaphore_mem>>) src(%dma_wait3A_156 : memref<2560xf32, #tpu.memory_space<hbm>>) dst(%arg11 : memref<2560xf32, #tpu.memory_space<vmem>>)
            tpu.yield
          }) : () -> ()
          %scan3A_62 = arith.constant 0 : i32
          %scan3A_63 = arith.constant 0 : i32
          %scan3A_64 = arith.constant 160 : i32
          %scan3A_65 = arith.addi %scan3A_63, %scan3A_64 : i32
          %scan3A_66 = arith.constant 1 : i32
          %scan3A_67 = scf.for %scan3A_151 = %scan3A_63 to %scan3A_65 step %scan3A_66 iter_args(%scan3A_152 = %scan3A_62) -> (i32)  : i32 {
            %mul3A_153 = arith.constant 16 : i32
            %mul3A_154 = arith.muli %scan3A_151, %mul3A_153 : i32
            %get3A = arith.index_cast %mul3A_154 : i32 to index
            %get3A_155 = tpu.vector_load %arg9[%get3A] {strides = array<i32>} : memref<2560xi32, #tpu.memory_space<vmem>>, vector<16xi32>,
            %mul3A_156 = arith.constant 16 : i32
            %mul3A_157 = arith.muli %scan3A_151, %mul3A_156 : i32
            %get3A_158 = arith.index_cast %mul3A_157 : i32 to index
            %get3A_159 = tpu.vector_load %arg10[%get3A_158] {strides = array<i32>} : memref<2560xi32, #tpu.memory_space<vmem>>, vector<16xi32>,
            %mul3A_160 = arith.constant 16 : i32
            %mul3A_161 = arith.muli %scan3A_151, %mul3A_160 : i32
            %get3A_162 = arith.index_cast %mul3A_161 : i32 to index
            %get3A_163 = tpu.vector_load %arg11[%get3A_162] {strides = array<i32>} : memref<2560xf32, #tpu.memory_space<vmem>>, vector<16xf32>,
            %sub3A_164 = vector.broadcast %mul3A_28 : i32 to vector<16xi32>
            %sub3A_165 = arith.subi %get3A_159, %sub3A_164 : vector<16xi32>
            %ge3A = arith.constant 0 : i32
            %ge3A_166 = vector.broadcast %ge3A : i32 to vector<16xi32>
            %ge3A_167 = arith.cmpi sge, %sub3A_165, %ge3A_166 : vector<16xi32>
            %lt3A_168 = arith.constant 6250 : i32
            %lt3A_169 = vector.broadcast %lt3A_168 : i32 to vector<16xi32>
            %lt3A_170 = arith.cmpi slt, %sub3A_165, %lt3A_169 : vector<16xi32>
            %and3A_171 = arith.andi %ge3A_167, %lt3A_170 : vector<16xi1>
            %convert_element_type3A = arith.extui %and3A_171 : vector<16xi1> to vector<16xi32>
            %broadcast_in_dim3A_172 = arith.constant true
            %broadcast_in_dim3A_173 = vector.broadcast %broadcast_in_dim3A_172 : i1 to vector<16xi1>
            %masked_cumsum3A = tpu.scan <sum>, %convert_element_type3A masked %broadcast_in_dim3A_173 : vector<16xi32>, vector<16xi1> -> vector<16xi32>
            %add3A_174 = vector.broadcast %scan3A_152 : i32 to vector<16xi32>
            %add3A_175 = arith.addi %add3A_174, %masked_cumsum3A : vector<16xi32>
            %sub3A_176 = arith.constant 1 : i32
            %sub3A_177 = vector.broadcast %sub3A_176 : i32 to vector<16xi32>
            %sub3A_178 = arith.subi %add3A_175, %sub3A_177 : vector<16xi32>
            tpu.vector_store_idx %arg12[%sub3A_178], %get3A_155 masked %and3A_171 : memref<2640xi32, #tpu.memory_space<vmem>>[vector<16xi32>], vector<16xi32>, vector<16xi1>
            tpu.vector_store_idx %arg13[%sub3A_178], %sub3A_165 masked %and3A_171 : memref<2640xi32, #tpu.memory_space<vmem>>[vector<16xi32>], vector<16xi32>, vector<16xi1>
            tpu.vector_store_idx %arg14[%sub3A_178], %get3A_163 masked %and3A_171 : memref<2640xf32, #tpu.memory_space<vmem>>[vector<16xi32>], vector<16xf32>, vector<16xi1>
            %reduce_sum3A = arith.constant true
            %reduce_sum3A_179 = vector.broadcast %reduce_sum3A : i1 to vector<16xi1>
            %reduce_sum3A_180 = tpu.scan <sum>, %convert_element_type3A masked %reduce_sum3A_179 : vector<16xi32>, vector<16xi1> -> vector<16xi32>
            %reduce_sum3A_181 = vector.extract %reduce_sum3A_180[15] : i32 from vector<16xi32>
            %add3A_182 = arith.addi %scan3A_152, %reduce_sum3A_181 : i32
            scf.yield %add3A_182 : i32
          }
          %scan3A_68 = arith.constant 160 : i32
          %broadcast_in_dim3A = arith.constant 0 : i32
          %broadcast_in_dim3A_69 = vector.broadcast %broadcast_in_dim3A : i32 to vector<16xi32>
          %broadcast_in_dim3A_70 = arith.constant 6250 : i32
          %broadcast_in_dim3A_71 = vector.broadcast %broadcast_in_dim3A_70 : i32 to vector<16xi32>
          %broadcast_in_dim3A_72 = arith.constant 0.000000e+00 : f32
          %broadcast_in_dim3A_73 = vector.broadcast %broadcast_in_dim3A_72 : f32 to vector<16xf32>
          %add3A_74 = arith.constant 0 : i32
          %add3A_75 = arith.addi %scan3A_67, %add3A_74 : i32
          %swap3A = arith.index_cast %add3A_75 : i32 to index
          %swap3A_76 = tpu.vector_load %arg12[%swap3A] {strides = array<i32>} : memref<2640xi32, #tpu.memory_space<vmem>>, vector<16xi32>,
          tpu.vector_store %arg12[%swap3A], %broadcast_in_dim3A_69 {strides = array<i32>} : memref<2640xi32, #tpu.memory_space<vmem>>, vector<16xi32>,
          %add3A_77 = arith.constant 0 : i32
          %add3A_78 = arith.addi %scan3A_67, %add3A_77 : i32
          %swap3A_79 = arith.index_cast %add3A_78 : i32 to index
          %swap3A_80 = tpu.vector_load %arg13[%swap3A_79] {strides = array<i32>} : memref<2640xi32, #tpu.memory_space<vmem>>, vector<16xi32>,
          tpu.vector_store %arg13[%swap3A_79], %broadcast_in_dim3A_71 {strides = array<i32>} : memref<2640xi32, #tpu.memory_space<vmem>>, vector<16xi32>,
          %add3A_81 = arith.constant 0 : i32
          %add3A_82 = arith.addi %scan3A_67, %add3A_81 : i32
          %swap3A_83 = arith.index_cast %add3A_82 : i32 to index
          %swap3A_84 = tpu.vector_load %arg14[%swap3A_83] {strides = array<i32>} : memref<2640xf32, #tpu.memory_space<vmem>>, vector<16xf32>,
          tpu.vector_store %arg14[%swap3A_83], %broadcast_in_dim3A_73 {strides = array<i32>} : memref<2640xf32, #tpu.memory_space<vmem>>, vector<16xf32>,
          %add3A_85 = arith.constant 16 : i32
          %add3A_86 = arith.addi %scan3A_67, %add3A_85 : i32
          %swap3A_87 = arith.index_cast %add3A_86 : i32 to index
          %swap3A_88 = tpu.vector_load %arg12[%swap3A_87] {strides = array<i32>} : memref<2640xi32, #tpu.memory_space<vmem>>, vector<16xi32>,
          tpu.vector_store %arg12[%swap3A_87], %broadcast_in_dim3A_69 {strides = array<i32>} : memref<2640xi32, #tpu.memory_space<vmem>>, vector<16xi32>,
          %add3A_89 = arith.constant 16 : i32
          %add3A_90 = arith.addi %scan3A_67, %add3A_89 : i32
          %swap3A_91 = arith.index_cast %add3A_90 : i32 to index
          %swap3A_92 = tpu.vector_load %arg13[%swap3A_91] {strides = array<i32>} : memref<2640xi32, #tpu.memory_space<vmem>>, vector<16xi32>,
          tpu.vector_store %arg13[%swap3A_91], %broadcast_in_dim3A_71 {strides = array<i32>} : memref<2640xi32, #tpu.memory_space<vmem>>, vector<16xi32>,
          %add3A_93 = arith.constant 16 : i32
          %add3A_94 = arith.addi %scan3A_67, %add3A_93 : i32
          %swap3A_95 = arith.index_cast %add3A_94 : i32 to index
          %swap3A_96 = tpu.vector_load %arg14[%swap3A_95] {strides = array<i32>} : memref<2640xf32, #tpu.memory_space<vmem>>, vector<16xf32>,
          tpu.vector_store %arg14[%swap3A_95], %broadcast_in_dim3A_73 {strides = array<i32>} : memref<2640xf32, #tpu.memory_space<vmem>>, vector<16xf32>,
          %add3A_97 = arith.constant 32 : i32
          %add3A_98 = arith.addi %scan3A_67, %add3A_97 : i32
          %swap3A_99 = arith.index_cast %add3A_98 : i32 to index
          %swap3A_100 = tpu.vector_load %arg12[%swap3A_99] {strides = array<i32>} : memref<2640xi32, #tpu.memory_space<vmem>>, vector<16xi32>,
          tpu.vector_store %arg12[%swap3A_99], %broadcast_in_dim3A_69 {strides = array<i32>} : memref<2640xi32, #tpu.memory_space<vmem>>, vector<16xi32>,
          %add3A_101 = arith.constant 32 : i32
          %add3A_102 = arith.addi %scan3A_67, %add3A_101 : i32
          %swap3A_103 = arith.index_cast %add3A_102 : i32 to index
          %swap3A_104 = tpu.vector_load %arg13[%swap3A_103] {strides = array<i32>} : memref<2640xi32, #tpu.memory_space<vmem>>, vector<16xi32>,
          tpu.vector_store %arg13[%swap3A_103], %broadcast_in_dim3A_71 {strides = array<i32>} : memref<2640xi32, #tpu.memory_space<vmem>>, vector<16xi32>,
          %add3A_105 = arith.constant 32 : i32
          %add3A_106 = arith.addi %scan3A_67, %add3A_105 : i32
          %swap3A_107 = arith.index_cast %add3A_106 : i32 to index
          %swap3A_108 = tpu.vector_load %arg14[%swap3A_107] {strides = array<i32>} : memref<2640xf32, #tpu.memory_space<vmem>>, vector<16xf32>,
          tpu.vector_store %arg14[%swap3A_107], %broadcast_in_dim3A_73 {strides = array<i32>} : memref<2640xf32, #tpu.memory_space<vmem>>, vector<16xf32>,
          %add3A_109 = arith.constant 48 : i32
          %add3A_110 = arith.addi %scan3A_67, %add3A_109 : i32
          %swap3A_111 = arith.index_cast %add3A_110 : i32 to index
          %swap3A_112 = tpu.vector_load %arg12[%swap3A_111] {strides = array<i32>} : memref<2640xi32, #tpu.memory_space<vmem>>, vector<16xi32>,
          tpu.vector_store %arg12[%swap3A_111], %broadcast_in_dim3A_69 {strides = array<i32>} : memref<2640xi32, #tpu.memory_space<vmem>>, vector<16xi32>,
          %add3A_113 = arith.constant 48 : i32
          %add3A_114 = arith.addi %scan3A_67, %add3A_113 : i32
          %swap3A_115 = arith.index_cast %add3A_114 : i32 to index
          %swap3A_116 = tpu.vector_load %arg13[%swap3A_115] {strides = array<i32>} : memref<2640xi32, #tpu.memory_space<vmem>>, vector<16xi32>,
          tpu.vector_store %arg13[%swap3A_115], %broadcast_in_dim3A_71 {strides = array<i32>} : memref<2640xi32, #tpu.memory_space<vmem>>, vector<16xi32>,
          %add3A_117 = arith.constant 48 : i32
          %add3A_118 = arith.addi %scan3A_67, %add3A_117 : i32
          %swap3A_119 = arith.index_cast %add3A_118 : i32 to index
          %swap3A_120 = tpu.vector_load %arg14[%swap3A_119] {strides = array<i32>} : memref<2640xf32, #tpu.memory_space<vmem>>, vector<16xf32>,
          tpu.vector_store %arg14[%swap3A_119], %broadcast_in_dim3A_73 {strides = array<i32>} : memref<2640xf32, #tpu.memory_space<vmem>>, vector<16xf32>,
          %add3A_121 = arith.constant 63 : i32
          %add3A_122 = arith.addi %scan3A_67, %add3A_121 : i32
          %jit3A = arith.constant 64 : i32
          %div3A = arith.divsi %add3A_122, %jit3A : i32
          %sign3A = arith.constant 0 : i32
          %sign3A_123 = arith.cmpi sgt, %add3A_122, %sign3A : i32
          %sign3A_124 = arith.extui %sign3A_123 : i1 to i32
          %sign3A_125 = arith.constant 0 : i32
          %sign3A_126 = arith.cmpi slt, %add3A_122, %sign3A_125 : i32
          %sign3A_127 = arith.extui %sign3A_126 : i1 to i32
          %sign3A_128 = arith.subi %sign3A_124, %sign3A_127 : i32
          %sign3A_129 = arith.constant 0 : i32
          %sign3A_130 = arith.cmpi sgt, %jit3A, %sign3A_129 : i32
          %sign3A_131 = arith.extui %sign3A_130 : i1 to i32
          %sign3A_132 = arith.constant 0 : i32
          %sign3A_133 = arith.cmpi slt, %jit3A, %sign3A_132 : i32
          %sign3A_134 = arith.extui %sign3A_133 : i1 to i32
          %sign3A_135 = arith.subi %sign3A_131, %sign3A_134 : i32
          %ne3A = arith.cmpi ne, %sign3A_128, %sign3A_135 : i32
          %rem3A = arith.remsi %add3A_122, %jit3A : i32
          %ne3A_136 = arith.constant 0 : i32
          %ne3A_137 = arith.cmpi ne, %rem3A, %ne3A_136 : i32
          %and3A = arith.andi %ne3A, %ne3A_137 : i1
          %sub3A = arith.constant 1 : i32
          %sub3A_138 = arith.subi %div3A, %sub3A : i32
          %select_n3A = arith.select %and3A, %sub3A_138, %div3A : i32
          %while3A = arith.constant 0 : i32
          %while3A_139 = arith.constant 0 : i32
          %while3A_140 = arith.subi %select_n3A, %while3A : i32
          %while3A_141 = arith.addi %while3A, %while3A_140 : i32
          %while3A_142 = arith.constant 1 : i32
          %while3A_143 = arith.divsi %while3A_140, %while3A_142 : i32
          %while3A_144 = arith.muli %while3A_143, %while3A_142 : i32
          %while3A_145 = arith.addi %while3A, %while3A_144 : i32
          %while3A_146 = arith.constant 1 : i32
          %while3A_147 = scf.for %while3A_151 = %while3A to %while3A_145 step %while3A_146 iter_args(%while3A_152 = %while3A_139) -> (i32)  : i32 {
            %mul3A_153 = arith.constant 64 : i32
            %mul3A_154 = arith.muli %while3A_151, %mul3A_153 : i32
            %multiple_of3A_155 = tpu.assume_multiple %mul3A_154, 64 : i32
            %add3A_156 = arith.constant 0 : i32
            %add3A_157 = arith.addi %multiple_of3A_155, %add3A_156 : i32
            %get3A = arith.index_cast %add3A_157 : i32 to index
            %get3A_158 = tpu.vector_load %arg13[%get3A] {strides = array<i32>} : memref<2640xi32, #tpu.memory_space<vmem>>, vector<16xi32>,
            %swap3A_159 = arith.constant 0 : i32
            %swap3A_160 = arith.index_cast %swap3A_159 : i32 to index
            %swap3A_161 = arith.constant 0 : index
            %swap3A_162 = tpu.vector_load %arg16[%swap3A_160, %swap3A_161] {strides = array<i32>} : memref<1x64xi32, #tpu.memory_space<vmem>>, vector<16xi32>,
            tpu.vector_store %arg16[%swap3A_160, %swap3A_161], %get3A_158 {strides = array<i32>} : memref<1x64xi32, #tpu.memory_space<vmem>>, vector<16xi32>,
            %add3A_163 = arith.constant 16 : i32
            %add3A_164 = arith.addi %multiple_of3A_155, %add3A_163 : i32
            %get3A_165 = arith.index_cast %add3A_164 : i32 to index
            %get3A_166 = tpu.vector_load %arg13[%get3A_165] {strides = array<i32>} : memref<2640xi32, #tpu.memory_space<vmem>>, vector<16xi32>,
            %swap3A_167 = arith.constant 0 : i32
            %swap3A_168 = arith.index_cast %swap3A_167 : i32 to index
            %swap3A_169 = arith.constant 16 : index
            %swap3A_170 = tpu.vector_load %arg16[%swap3A_168, %swap3A_169] {strides = array<i32>} : memref<1x64xi32, #tpu.memory_space<vmem>>, vector<16xi32>,
            tpu.vector_store %arg16[%swap3A_168, %swap3A_169], %get3A_166 {strides = array<i32>} : memref<1x64xi32, #tpu.memory_space<vmem>>, vector<16xi32>,
            %add3A_171 = arith.constant 32 : i32
            %add3A_172 = arith.addi %multiple_of3A_155, %add3A_171 : i32
            %get3A_173 = arith.index_cast %add3A_172 : i32 to index
            %get3A_174 = tpu.vector_load %arg13[%get3A_173] {strides = array<i32>} : memref<2640xi32, #tpu.memory_space<vmem>>, vector<16xi32>,
            %swap3A_175 = arith.constant 0 : i32
            %swap3A_176 = arith.index_cast %swap3A_175 : i32 to index
            %swap3A_177 = arith.constant 32 : index
            %swap3A_178 = tpu.vector_load %arg16[%swap3A_176, %swap3A_177] {strides = array<i32>} : memref<1x64xi32, #tpu.memory_space<vmem>>, vector<16xi32>,
            tpu.vector_store %arg16[%swap3A_176, %swap3A_177], %get3A_174 {strides = array<i32>} : memref<1x64xi32, #tpu.memory_space<vmem>>, vector<16xi32>,
            %add3A_179 = arith.constant 48 : i32
            %add3A_180 = arith.addi %multiple_of3A_155, %add3A_179 : i32
            %get3A_181 = arith.index_cast %add3A_180 : i32 to index
            %get3A_182 = tpu.vector_load %arg13[%get3A_181] {strides = array<i32>} : memref<2640xi32, #tpu.memory_space<vmem>>, vector<16xi32>,
            %swap3A_183 = arith.constant 0 : i32
            %swap3A_184 = arith.index_cast %swap3A_183 : i32 to index
            %swap3A_185 = arith.constant 48 : index
            %swap3A_186 = tpu.vector_load %arg16[%swap3A_184, %swap3A_185] {strides = array<i32>} : memref<1x64xi32, #tpu.memory_space<vmem>>, vector<16xi32>,
            tpu.vector_store %arg16[%swap3A_184, %swap3A_185], %get3A_182 {strides = array<i32>} : memref<1x64xi32, #tpu.memory_space<vmem>>, vector<16xi32>,
            %run_scoped3A = arith.constant 0 : i32
            "tpu.region"() ({
              %run_scoped3A_198 = tpu.sem_alloc : memref<!tpu.dma_semaphore, #tpu.memory_space<semaphore_mem>>
              %dma_start3A = arith.constant 0 : i32
              %dma_start3A_199 = arith.constant 0 : i32
              %dma_start3A_200 = tpu.memref_slice %arg15[%run_scoped3A, %dma_start3A, %dma_start3A_199] : memref<1x64x128xf32, #tpu.memory_space<vmem>> -> memref<1x64x128xf32, #tpu.memory_space<vmem>>
              %dma_start3A_201 = tpu.memref_squeeze %dma_start3A_200 : memref<1x64x128xf32, #tpu.memory_space<vmem>> -> memref<64x128xf32, #tpu.memory_space<vmem>>
              %dma_start3A_202 = tpu.memref_slice %arg12[%multiple_of3A_155] : memref<2640xi32, #tpu.memory_space<vmem>> -> memref<64xi32, #tpu.memory_space<vmem>>
              %dma_start3A_203 = arith.constant 0 : i32
              %dma_start3A_204 = arith.constant 0 : i32
              %dma_start3A_205 = tpu.memref_slice %arg2[%dma_start3A_203, %dma_start3A_204] : memref<50000x128xf32, #tpu.memory_space<hbm>> -> memref<50000x128xf32, #tpu.memory_space<hbm>>
              tpu.enqueue_indirect_dma source(%dma_start3A_205 : memref<50000x128xf32, #tpu.memory_space<hbm>>) target(%dma_start3A_201 : memref<64x128xf32, #tpu.memory_space<vmem>>) offsets(%dma_start3A_202 : memref<64xi32, #tpu.memory_space<vmem>>) semaphore(%run_scoped3A_198 : memref<!tpu.dma_semaphore, #tpu.memory_space<semaphore_mem>>)
              %dma_wait3A = arith.constant 0 : i32
              %dma_wait3A_206 = arith.constant 0 : i32
              %dma_wait3A_207 = tpu.memref_slice %arg15[%run_scoped3A, %dma_wait3A, %dma_wait3A_206] : memref<1x64x128xf32, #tpu.memory_space<vmem>> -> memref<1x64x128xf32, #tpu.memory_space<vmem>>
              %dma_wait3A_208 = tpu.memref_squeeze %dma_wait3A_207 : memref<1x64x128xf32, #tpu.memory_space<vmem>> -> memref<64x128xf32, #tpu.memory_space<vmem>>
              %dma_wait3A_209 = tpu.memref_slice %arg12[%multiple_of3A_155] : memref<2640xi32, #tpu.memory_space<vmem>> -> memref<64xi32, #tpu.memory_space<vmem>>
              %dma_wait3A_210 = arith.constant 0 : i32
              %dma_wait3A_211 = arith.constant 0 : i32
              %dma_wait3A_212 = tpu.memref_slice %arg2[%dma_wait3A_210, %dma_wait3A_211] : memref<50000x128xf32, #tpu.memory_space<hbm>> -> memref<50000x128xf32, #tpu.memory_space<hbm>>
              tpu.wait_indirect_dma semaphore(%run_scoped3A_198 : memref<!tpu.dma_semaphore, #tpu.memory_space<semaphore_mem>>) src(%dma_wait3A_212 : memref<50000x128xf32, #tpu.memory_space<hbm>>) dst(%dma_wait3A_208 : memref<64x128xf32, #tpu.memory_space<vmem>>)
              tpu.yield
            }) : () -> ()
            %scan3A_187 = arith.constant 0 : i32
            %scan3A_188 = arith.constant 0 : i32
            %scan3A_189 = arith.constant 64 : i32
            %scan3A_190 = arith.addi %scan3A_188, %scan3A_189 : i32
            %scan3A_191 = arith.constant 1 : i32
            %scan3A_192 = scf.for %scan3A_198 = %scan3A_188 to %scan3A_190 step %scan3A_191 iter_args(%scan3A_199 = %scan3A_187) -> (i32)  : i32 {
              %shift_right_arithmetic3A = arith.constant 4 : i32
              %shift_right_arithmetic3A_200 = arith.shrsi %scan3A_198, %shift_right_arithmetic3A : i32
              %shift_left3A = arith.constant 4 : i32
              %shift_left3A_201 = arith.shli %shift_right_arithmetic3A_200, %shift_left3A : i32
              %add3A_202 = arith.addi %multiple_of3A_155, %shift_left3A_201 : i32
              %get3A_203 = arith.index_cast %add3A_202 : i32 to index
              %get3A_204 = tpu.vector_load %arg14[%get3A_203] {strides = array<i32>} : memref<2640xf32, #tpu.memory_space<vmem>>, vector<16xf32>,
              %and3A_205 = arith.constant 15 : i32
              %and3A_206 = arith.andi %scan3A_198, %and3A_205 : i32
              %broadcast_in_dim3A_207 = vector.broadcast %and3A_206 : i32 to vector<16x1xi32>
              %gather3A = vector.shape_cast %broadcast_in_dim3A_207 : vector<16x1xi32> to vector<16xi32>
              %gather3A_208 = tpu.dynamic_gather %get3A_204[%gather3A] in [0] : vector<16xf32>, vector<16xi32> -> vector<16xf32>
              %get3A_209 = arith.constant 0 : i32
              %get3A_210 = arith.index_cast %get3A_209 : i32 to index
              %get3A_211 = arith.index_cast %scan3A_198 : i32 to index
              %get3A_212 = arith.constant 0 : index
              %get3A_213 = tpu.vector_load %arg15[%get3A_210, %get3A_211, %get3A_212] {strides = array<i32>} : memref<1x64x128xf32, #tpu.memory_space<vmem>>, vector<16xf32>,
              %mul3A_214 = arith.mulf %get3A_213, %gather3A_208 : vector<16xf32>
              %swap3A_215 = arith.constant 0 : i32
              %swap3A_216 = arith.index_cast %swap3A_215 : i32 to index
              %swap3A_217 = arith.index_cast %scan3A_198 : i32 to index
              %swap3A_218 = arith.constant 0 : index
              %swap3A_219 = tpu.vector_load %arg15[%swap3A_216, %swap3A_217, %swap3A_218] {strides = array<i32>} : memref<1x64x128xf32, #tpu.memory_space<vmem>>, vector<16xf32>,
              tpu.vector_store %arg15[%swap3A_216, %swap3A_217, %swap3A_218], %mul3A_214 {strides = array<i32>} : memref<1x64x128xf32, #tpu.memory_space<vmem>>, vector<16xf32>,
              %get3A_220 = arith.constant 0 : i32
              %get3A_221 = arith.index_cast %get3A_220 : i32 to index
              %get3A_222 = arith.index_cast %scan3A_198 : i32 to index
              %get3A_223 = arith.constant 16 : index
              %get3A_224 = tpu.vector_load %arg15[%get3A_221, %get3A_222, %get3A_223] {strides = array<i32>} : memref<1x64x128xf32, #tpu.memory_space<vmem>>, vector<16xf32>,
              %mul3A_225 = arith.mulf %get3A_224, %gather3A_208 : vector<16xf32>
              %swap3A_226 = arith.constant 0 : i32
              %swap3A_227 = arith.index_cast %swap3A_226 : i32 to index
              %swap3A_228 = arith.index_cast %scan3A_198 : i32 to index
              %swap3A_229 = arith.constant 16 : index
              %swap3A_230 = tpu.vector_load %arg15[%swap3A_227, %swap3A_228, %swap3A_229] {strides = array<i32>} : memref<1x64x128xf32, #tpu.memory_space<vmem>>, vector<16xf32>,
              tpu.vector_store %arg15[%swap3A_227, %swap3A_228, %swap3A_229], %mul3A_225 {strides = array<i32>} : memref<1x64x128xf32, #tpu.memory_space<vmem>>, vector<16xf32>,
              %get3A_231 = arith.constant 0 : i32
              %get3A_232 = arith.index_cast %get3A_231 : i32 to index
              %get3A_233 = arith.index_cast %scan3A_198 : i32 to index
              %get3A_234 = arith.constant 32 : index
              %get3A_235 = tpu.vector_load %arg15[%get3A_232, %get3A_233, %get3A_234] {strides = array<i32>} : memref<1x64x128xf32, #tpu.memory_space<vmem>>, vector<16xf32>,
              %mul3A_236 = arith.mulf %get3A_235, %gather3A_208 : vector<16xf32>
              %swap3A_237 = arith.constant 0 : i32
              %swap3A_238 = arith.index_cast %swap3A_237 : i32 to index
              %swap3A_239 = arith.index_cast %scan3A_198 : i32 to index
              %swap3A_240 = arith.constant 32 : index
              %swap3A_241 = tpu.vector_load %arg15[%swap3A_238, %swap3A_239, %swap3A_240] {strides = array<i32>} : memref<1x64x128xf32, #tpu.memory_space<vmem>>, vector<16xf32>,
              tpu.vector_store %arg15[%swap3A_238, %swap3A_239, %swap3A_240], %mul3A_236 {strides = array<i32>} : memref<1x64x128xf32, #tpu.memory_space<vmem>>, vector<16xf32>,
              %get3A_242 = arith.constant 0 : i32
              %get3A_243 = arith.index_cast %get3A_242 : i32 to index
              %get3A_244 = arith.index_cast %scan3A_198 : i32 to index
              %get3A_245 = arith.constant 48 : index
              %get3A_246 = tpu.vector_load %arg15[%get3A_243, %get3A_244, %get3A_245] {strides = array<i32>} : memref<1x64x128xf32, #tpu.memory_space<vmem>>, vector<16xf32>,
              %mul3A_247 = arith.mulf %get3A_246, %gather3A_208 : vector<16xf32>
              %swap3A_248 = arith.constant 0 : i32
              %swap3A_249 = arith.index_cast %swap3A_248 : i32 to index
              %swap3A_250 = arith.index_cast %scan3A_198 : i32 to index
              %swap3A_251 = arith.constant 48 : index
              %swap3A_252 = tpu.vector_load %arg15[%swap3A_249, %swap3A_250, %swap3A_251] {strides = array<i32>} : memref<1x64x128xf32, #tpu.memory_space<vmem>>, vector<16xf32>,
              tpu.vector_store %arg15[%swap3A_249, %swap3A_250, %swap3A_251], %mul3A_247 {strides = array<i32>} : memref<1x64x128xf32, #tpu.memory_space<vmem>>, vector<16xf32>,
              %get3A_253 = arith.constant 0 : i32
              %get3A_254 = arith.index_cast %get3A_253 : i32 to index
              %get3A_255 = arith.index_cast %scan3A_198 : i32 to index
              %get3A_256 = arith.constant 64 : index
              %get3A_257 = tpu.vector_load %arg15[%get3A_254, %get3A_255, %get3A_256] {strides = array<i32>} : memref<1x64x128xf32, #tpu.memory_space<vmem>>, vector<16xf32>,
              %mul3A_258 = arith.mulf %get3A_257, %gather3A_208 : vector<16xf32>
              %swap3A_259 = arith.constant 0 : i32
              %swap3A_260 = arith.index_cast %swap3A_259 : i32 to index
              %swap3A_261 = arith.index_cast %scan3A_198 : i32 to index
              %swap3A_262 = arith.constant 64 : index
              %swap3A_263 = tpu.vector_load %arg15[%swap3A_260, %swap3A_261, %swap3A_262] {strides = array<i32>} : memref<1x64x128xf32, #tpu.memory_space<vmem>>, vector<16xf32>,
              tpu.vector_store %arg15[%swap3A_260, %swap3A_261, %swap3A_262], %mul3A_258 {strides = array<i32>} : memref<1x64x128xf32, #tpu.memory_space<vmem>>, vector<16xf32>,
              %get3A_264 = arith.constant 0 : i32
              %get3A_265 = arith.index_cast %get3A_264 : i32 to index
              %get3A_266 = arith.index_cast %scan3A_198 : i32 to index
              %get3A_267 = arith.constant 80 : index
              %get3A_268 = tpu.vector_load %arg15[%get3A_265, %get3A_266, %get3A_267] {strides = array<i32>} : memref<1x64x128xf32, #tpu.memory_space<vmem>>, vector<16xf32>,
              %mul3A_269 = arith.mulf %get3A_268, %gather3A_208 : vector<16xf32>
              %swap3A_270 = arith.constant 0 : i32
              %swap3A_271 = arith.index_cast %swap3A_270 : i32 to index
              %swap3A_272 = arith.index_cast %scan3A_198 : i32 to index
              %swap3A_273 = arith.constant 80 : index
              %swap3A_274 = tpu.vector_load %arg15[%swap3A_271, %swap3A_272, %swap3A_273] {strides = array<i32>} : memref<1x64x128xf32, #tpu.memory_space<vmem>>, vector<16xf32>,
              tpu.vector_store %arg15[%swap3A_271, %swap3A_272, %swap3A_273], %mul3A_269 {strides = array<i32>} : memref<1x64x128xf32, #tpu.memory_space<vmem>>, vector<16xf32>,
              %get3A_275 = arith.constant 0 : i32
              %get3A_276 = arith.index_cast %get3A_275 : i32 to index
              %get3A_277 = arith.index_cast %scan3A_198 : i32 to index
              %get3A_278 = arith.constant 96 : index
              %get3A_279 = tpu.vector_load %arg15[%get3A_276, %get3A_277, %get3A_278] {strides = array<i32>} : memref<1x64x128xf32, #tpu.memory_space<vmem>>, vector<16xf32>,
              %mul3A_280 = arith.mulf %get3A_279, %gather3A_208 : vector<16xf32>
              %swap3A_281 = arith.constant 0 : i32
              %swap3A_282 = arith.index_cast %swap3A_281 : i32 to index
              %swap3A_283 = arith.index_cast %scan3A_198 : i32 to index
              %swap3A_284 = arith.constant 96 : index
              %swap3A_285 = tpu.vector_load %arg15[%swap3A_282, %swap3A_283, %swap3A_284] {strides = array<i32>} : memref<1x64x128xf32, #tpu.memory_space<vmem>>, vector<16xf32>,
              tpu.vector_store %arg15[%swap3A_282, %swap3A_283, %swap3A_284], %mul3A_280 {strides = array<i32>} : memref<1x64x128xf32, #tpu.memory_space<vmem>>, vector<16xf32>,
              %get3A_286 = arith.constant 0 : i32
              %get3A_287 = arith.index_cast %get3A_286 : i32 to index
              %get3A_288 = arith.index_cast %scan3A_198 : i32 to index
              %get3A_289 = arith.constant 112 : index
              %get3A_290 = tpu.vector_load %arg15[%get3A_287, %get3A_288, %get3A_289] {strides = array<i32>} : memref<1x64x128xf32, #tpu.memory_space<vmem>>, vector<16xf32>,
              %mul3A_291 = arith.mulf %get3A_290, %gather3A_208 : vector<16xf32>
              %swap3A_292 = arith.constant 0 : i32
              %swap3A_293 = arith.index_cast %swap3A_292 : i32 to index
              %swap3A_294 = arith.index_cast %scan3A_198 : i32 to index
              %swap3A_295 = arith.constant 112 : index
              %swap3A_296 = tpu.vector_load %arg15[%swap3A_293, %swap3A_294, %swap3A_295] {strides = array<i32>} : memref<1x64x128xf32, #tpu.memory_space<vmem>>, vector<16xf32>,
              tpu.vector_store %arg15[%swap3A_293, %swap3A_294, %swap3A_295], %mul3A_291 {strides = array<i32>} : memref<1x64x128xf32, #tpu.memory_space<vmem>>, vector<16xf32>,
              %scan3A_297 = arith.constant 0 : i32
              scf.yield %scan3A_297 : i32
            }
            %scan3A_193 = arith.constant 64 : i32
            %run_scoped3A_194 = arith.constant 0 : i32
            %run_scoped3A_195 = arith.constant 0 : i32
            "tpu.region"() ({
              %run_scoped3A_198 = tpu.sem_alloc : memref<!tpu.dma_semaphore, #tpu.memory_space<semaphore_mem>>
              %dma_start3A = arith.constant 0 : i32
              %dma_start3A_199 = arith.constant 0 : i32
              %dma_start3A_200 = tpu.memref_slice %arg15[%run_scoped3A_194, %dma_start3A, %dma_start3A_199] : memref<1x64x128xf32, #tpu.memory_space<vmem>> -> memref<1x64x128xf32, #tpu.memory_space<vmem>>
              %dma_start3A_201 = tpu.memref_squeeze %dma_start3A_200 : memref<1x64x128xf32, #tpu.memory_space<vmem>> -> memref<64x128xf32, #tpu.memory_space<vmem>>
              %dma_start3A_202 = arith.constant 0 : i32
              %dma_start3A_203 = tpu.memref_slice %arg16[%run_scoped3A_195, %dma_start3A_202] : memref<1x64xi32, #tpu.memory_space<vmem>> -> memref<1x64xi32, #tpu.memory_space<vmem>>
              %dma_start3A_204 = tpu.memref_squeeze %dma_start3A_203 : memref<1x64xi32, #tpu.memory_space<vmem>> -> memref<64xi32, #tpu.memory_space<vmem>>
              %dma_start3A_205 = arith.constant 0 : i32
              %dma_start3A_206 = arith.constant 0 : i32
              %dma_start3A_207 = tpu.memref_slice %arg7[%dma_start3A_205, %dma_start3A_206] : memref<6272x128xf32, #tpu.memory_space<vmem_shared>> -> memref<6272x128xf32, #tpu.memory_space<vmem_shared>>
              tpu.enqueue_indirect_dma source(%dma_start3A_201 : memref<64x128xf32, #tpu.memory_space<vmem>>) target(%dma_start3A_207 : memref<6272x128xf32, #tpu.memory_space<vmem_shared>>) offsets(%dma_start3A_204 : memref<64xi32, #tpu.memory_space<vmem>>) semaphore(%run_scoped3A_198 : memref<!tpu.dma_semaphore, #tpu.memory_space<semaphore_mem>>) {add = true}
              %dma_wait3A = arith.constant 0 : i32
              %dma_wait3A_208 = arith.constant 0 : i32
              %dma_wait3A_209 = tpu.memref_slice %arg15[%run_scoped3A_194, %dma_wait3A, %dma_wait3A_208] : memref<1x64x128xf32, #tpu.memory_space<vmem>> -> memref<1x64x128xf32, #tpu.memory_space<vmem>>
              %dma_wait3A_210 = tpu.memref_squeeze %dma_wait3A_209 : memref<1x64x128xf32, #tpu.memory_space<vmem>> -> memref<64x128xf32, #tpu.memory_space<vmem>>
              %dma_wait3A_211 = arith.constant 0 : i32
              %dma_wait3A_212 = tpu.memref_slice %arg16[%run_scoped3A_195, %dma_wait3A_211] : memref<1x64xi32, #tpu.memory_space<vmem>> -> memref<1x64xi32, #tpu.memory_space<vmem>>
              %dma_wait3A_213 = tpu.memref_squeeze %dma_wait3A_212 : memref<1x64xi32, #tpu.memory_space<vmem>> -> memref<64xi32, #tpu.memory_space<vmem>>
              %dma_wait3A_214 = arith.constant 0 : i32
              %dma_wait3A_215 = arith.constant 0 : i32
              %dma_wait3A_216 = tpu.memref_slice %arg7[%dma_wait3A_214, %dma_wait3A_215] : memref<6272x128xf32, #tpu.memory_space<vmem_shared>> -> memref<6272x128xf32, #tpu.memory_space<vmem_shared>>
              tpu.wait_indirect_dma semaphore(%run_scoped3A_198 : memref<!tpu.dma_semaphore, #tpu.memory_space<semaphore_mem>>) src(%dma_wait3A_210 : memref<64x128xf32, #tpu.memory_space<vmem>>) dst(%dma_wait3A_216 : memref<6272x128xf32, #tpu.memory_space<vmem_shared>>)
              tpu.yield
            }) : () -> ()
            %convert_element_type3A = arith.extui %lt3A_15 : i1 to i32
            %cond3A = arith.constant 0 : i32
            %cond3A_196 = arith.cmpi ne, %convert_element_type3A, %cond3A : i32
            scf.if %cond3A_196 {
              %run_scoped3A_198 = arith.constant 0 : i32
              "tpu.region"() ({
                %run_scoped3A_199 = tpu.sem_alloc : memref<!tpu.dma_semaphore, #tpu.memory_space<semaphore_mem>>
                %dma_start3A = arith.constant 0 : i32
                %dma_start3A_200 = tpu.memref_slice %arg16[%run_scoped3A_198, %dma_start3A] : memref<1x64xi32, #tpu.memory_space<vmem>> -> memref<1x64xi32, #tpu.memory_space<vmem>>
                %dma_start3A_201 = tpu.memref_squeeze %dma_start3A_200 : memref<1x64xi32, #tpu.memory_space<vmem>> -> memref<64xi32, #tpu.memory_space<vmem>>
                %dma_start3A_202 = arith.constant 0 : i32
                %dma_start3A_203 = arith.constant 0 : i32
                %dma_start3A_204 = tpu.memref_slice %arg8[%dma_start3A_202, %dma_start3A_203] : memref<6272x16xf32, #tpu.memory_space<vmem_shared>> -> memref<6272x16xf32, #tpu.memory_space<vmem_shared>>
                tpu.enqueue_indirect_dma source(%arg19 : memref<64x16xf32, #tpu.memory_space<vmem>>) target(%dma_start3A_204 : memref<6272x16xf32, #tpu.memory_space<vmem_shared>>) offsets(%dma_start3A_201 : memref<64xi32, #tpu.memory_space<vmem>>) semaphore(%run_scoped3A_199 : memref<!tpu.dma_semaphore, #tpu.memory_space<semaphore_mem>>) {add = true}
                %dma_wait3A = arith.constant 0 : i32
                %dma_wait3A_205 = tpu.memref_slice %arg16[%run_scoped3A_198, %dma_wait3A] : memref<1x64xi32, #tpu.memory_space<vmem>> -> memref<1x64xi32, #tpu.memory_space<vmem>>
                %dma_wait3A_206 = tpu.memref_squeeze %dma_wait3A_205 : memref<1x64xi32, #tpu.memory_space<vmem>> -> memref<64xi32, #tpu.memory_space<vmem>>
                %dma_wait3A_207 = arith.constant 0 : i32
                %dma_wait3A_208 = arith.constant 0 : i32
                %dma_wait3A_209 = tpu.memref_slice %arg8[%dma_wait3A_207, %dma_wait3A_208] : memref<6272x16xf32, #tpu.memory_space<vmem_shared>> -> memref<6272x16xf32, #tpu.memory_space<vmem_shared>>
                tpu.wait_indirect_dma semaphore(%run_scoped3A_199 : memref<!tpu.dma_semaphore, #tpu.memory_space<semaphore_mem>>) src(%arg19 : memref<64x16xf32, #tpu.memory_space<vmem>>) dst(%dma_wait3A_209 : memref<6272x16xf32, #tpu.memory_space<vmem_shared>>)
                tpu.yield
              }) : () -> ()
            } else {
            }
            %while3A_197 = arith.constant 0 : i32
            scf.yield %while3A_197 : i32
          }
          %while3A_148 = arith.constant 1 : i32
          %while3A_149 = scf.for %while3A_151 = %while3A_145 to %while3A_141 step %while3A_148 iter_args(%while3A_152 = %while3A_147) -> (i32)  : i32 {
            %mul3A_153 = arith.constant 64 : i32
            %mul3A_154 = arith.muli %while3A_151, %mul3A_153 : i32
            %multiple_of3A_155 = tpu.assume_multiple %mul3A_154, 64 : i32
            %add3A_156 = arith.constant 0 : i32
            %add3A_157 = arith.addi %multiple_of3A_155, %add3A_156 : i32
            %get3A = arith.index_cast %add3A_157 : i32 to index
            %get3A_158 = tpu.vector_load %arg13[%get3A] {strides = array<i32>} : memref<2640xi32, #tpu.memory_space<vmem>>, vector<16xi32>,
            %swap3A_159 = arith.constant 0 : i32
            %swap3A_160 = arith.index_cast %swap3A_159 : i32 to index
            %swap3A_161 = arith.constant 0 : index
            %swap3A_162 = tpu.vector_load %arg16[%swap3A_160, %swap3A_161] {strides = array<i32>} : memref<1x64xi32, #tpu.memory_space<vmem>>, vector<16xi32>,
            tpu.vector_store %arg16[%swap3A_160, %swap3A_161], %get3A_158 {strides = array<i32>} : memref<1x64xi32, #tpu.memory_space<vmem>>, vector<16xi32>,
            %add3A_163 = arith.constant 16 : i32
            %add3A_164 = arith.addi %multiple_of3A_155, %add3A_163 : i32
            %get3A_165 = arith.index_cast %add3A_164 : i32 to index
            %get3A_166 = tpu.vector_load %arg13[%get3A_165] {strides = array<i32>} : memref<2640xi32, #tpu.memory_space<vmem>>, vector<16xi32>,
            %swap3A_167 = arith.constant 0 : i32
            %swap3A_168 = arith.index_cast %swap3A_167 : i32 to index
            %swap3A_169 = arith.constant 16 : index
            %swap3A_170 = tpu.vector_load %arg16[%swap3A_168, %swap3A_169] {strides = array<i32>} : memref<1x64xi32, #tpu.memory_space<vmem>>, vector<16xi32>,
            tpu.vector_store %arg16[%swap3A_168, %swap3A_169], %get3A_166 {strides = array<i32>} : memref<1x64xi32, #tpu.memory_space<vmem>>, vector<16xi32>,
            %add3A_171 = arith.constant 32 : i32
            %add3A_172 = arith.addi %multiple_of3A_155, %add3A_171 : i32
            %get3A_173 = arith.index_cast %add3A_172 : i32 to index
            %get3A_174 = tpu.vector_load %arg13[%get3A_173] {strides = array<i32>} : memref<2640xi32, #tpu.memory_space<vmem>>, vector<16xi32>,
            %swap3A_175 = arith.constant 0 : i32
            %swap3A_176 = arith.index_cast %swap3A_175 : i32 to index
            %swap3A_177 = arith.constant 32 : index
            %swap3A_178 = tpu.vector_load %arg16[%swap3A_176, %swap3A_177] {strides = array<i32>} : memref<1x64xi32, #tpu.memory_space<vmem>>, vector<16xi32>,
            tpu.vector_store %arg16[%swap3A_176, %swap3A_177], %get3A_174 {strides = array<i32>} : memref<1x64xi32, #tpu.memory_space<vmem>>, vector<16xi32>,
            %add3A_179 = arith.constant 48 : i32
            %add3A_180 = arith.addi %multiple_of3A_155, %add3A_179 : i32
            %get3A_181 = arith.index_cast %add3A_180 : i32 to index
            %get3A_182 = tpu.vector_load %arg13[%get3A_181] {strides = array<i32>} : memref<2640xi32, #tpu.memory_space<vmem>>, vector<16xi32>,
            %swap3A_183 = arith.constant 0 : i32
            %swap3A_184 = arith.index_cast %swap3A_183 : i32 to index
            %swap3A_185 = arith.constant 48 : index
            %swap3A_186 = tpu.vector_load %arg16[%swap3A_184, %swap3A_185] {strides = array<i32>} : memref<1x64xi32, #tpu.memory_space<vmem>>, vector<16xi32>,
            tpu.vector_store %arg16[%swap3A_184, %swap3A_185], %get3A_182 {strides = array<i32>} : memref<1x64xi32, #tpu.memory_space<vmem>>, vector<16xi32>,
            %run_scoped3A = arith.constant 0 : i32
            "tpu.region"() ({
              %run_scoped3A_198 = tpu.sem_alloc : memref<!tpu.dma_semaphore, #tpu.memory_space<semaphore_mem>>
              %dma_start3A = arith.constant 0 : i32
              %dma_start3A_199 = arith.constant 0 : i32
              %dma_start3A_200 = tpu.memref_slice %arg15[%run_scoped3A, %dma_start3A, %dma_start3A_199] : memref<1x64x128xf32, #tpu.memory_space<vmem>> -> memref<1x64x128xf32, #tpu.memory_space<vmem>>
              %dma_start3A_201 = tpu.memref_squeeze %dma_start3A_200 : memref<1x64x128xf32, #tpu.memory_space<vmem>> -> memref<64x128xf32, #tpu.memory_space<vmem>>
              %dma_start3A_202 = tpu.memref_slice %arg12[%multiple_of3A_155] : memref<2640xi32, #tpu.memory_space<vmem>> -> memref<64xi32, #tpu.memory_space<vmem>>
              %dma_start3A_203 = arith.constant 0 : i32
              %dma_start3A_204 = arith.constant 0 : i32
              %dma_start3A_205 = tpu.memref_slice %arg2[%dma_start3A_203, %dma_start3A_204] : memref<50000x128xf32, #tpu.memory_space<hbm>> -> memref<50000x128xf32, #tpu.memory_space<hbm>>
              tpu.enqueue_indirect_dma source(%dma_start3A_205 : memref<50000x128xf32, #tpu.memory_space<hbm>>) target(%dma_start3A_201 : memref<64x128xf32, #tpu.memory_space<vmem>>) offsets(%dma_start3A_202 : memref<64xi32, #tpu.memory_space<vmem>>) semaphore(%run_scoped3A_198 : memref<!tpu.dma_semaphore, #tpu.memory_space<semaphore_mem>>)
              %dma_wait3A = arith.constant 0 : i32
              %dma_wait3A_206 = arith.constant 0 : i32
              %dma_wait3A_207 = tpu.memref_slice %arg15[%run_scoped3A, %dma_wait3A, %dma_wait3A_206] : memref<1x64x128xf32, #tpu.memory_space<vmem>> -> memref<1x64x128xf32, #tpu.memory_space<vmem>>
              %dma_wait3A_208 = tpu.memref_squeeze %dma_wait3A_207 : memref<1x64x128xf32, #tpu.memory_space<vmem>> -> memref<64x128xf32, #tpu.memory_space<vmem>>
              %dma_wait3A_209 = tpu.memref_slice %arg12[%multiple_of3A_155] : memref<2640xi32, #tpu.memory_space<vmem>> -> memref<64xi32, #tpu.memory_space<vmem>>
              %dma_wait3A_210 = arith.constant 0 : i32
              %dma_wait3A_211 = arith.constant 0 : i32
              %dma_wait3A_212 = tpu.memref_slice %arg2[%dma_wait3A_210, %dma_wait3A_211] : memref<50000x128xf32, #tpu.memory_space<hbm>> -> memref<50000x128xf32, #tpu.memory_space<hbm>>
              tpu.wait_indirect_dma semaphore(%run_scoped3A_198 : memref<!tpu.dma_semaphore, #tpu.memory_space<semaphore_mem>>) src(%dma_wait3A_212 : memref<50000x128xf32, #tpu.memory_space<hbm>>) dst(%dma_wait3A_208 : memref<64x128xf32, #tpu.memory_space<vmem>>)
              tpu.yield
            }) : () -> ()
            %scan3A_187 = arith.constant 0 : i32
            %scan3A_188 = arith.constant 0 : i32
            %scan3A_189 = arith.constant 64 : i32
            %scan3A_190 = arith.addi %scan3A_188, %scan3A_189 : i32
            %scan3A_191 = arith.constant 1 : i32
            %scan3A_192 = scf.for %scan3A_198 = %scan3A_188 to %scan3A_190 step %scan3A_191 iter_args(%scan3A_199 = %scan3A_187) -> (i32)  : i32 {
              %shift_right_arithmetic3A = arith.constant 4 : i32
              %shift_right_arithmetic3A_200 = arith.shrsi %scan3A_198, %shift_right_arithmetic3A : i32
              %shift_left3A = arith.constant 4 : i32
              %shift_left3A_201 = arith.shli %shift_right_arithmetic3A_200, %shift_left3A : i32
              %add3A_202 = arith.addi %multiple_of3A_155, %shift_left3A_201 : i32
              %get3A_203 = arith.index_cast %add3A_202 : i32 to index
              %get3A_204 = tpu.vector_load %arg14[%get3A_203] {strides = array<i32>} : memref<2640xf32, #tpu.memory_space<vmem>>, vector<16xf32>,
              %and3A_205 = arith.constant 15 : i32
              %and3A_206 = arith.andi %scan3A_198, %and3A_205 : i32
              %broadcast_in_dim3A_207 = vector.broadcast %and3A_206 : i32 to vector<16x1xi32>
              %gather3A = vector.shape_cast %broadcast_in_dim3A_207 : vector<16x1xi32> to vector<16xi32>
              %gather3A_208 = tpu.dynamic_gather %get3A_204[%gather3A] in [0] : vector<16xf32>, vector<16xi32> -> vector<16xf32>
              %get3A_209 = arith.constant 0 : i32
              %get3A_210 = arith.index_cast %get3A_209 : i32 to index
              %get3A_211 = arith.index_cast %scan3A_198 : i32 to index
              %get3A_212 = arith.constant 0 : index
              %get3A_213 = tpu.vector_load %arg15[%get3A_210, %get3A_211, %get3A_212] {strides = array<i32>} : memref<1x64x128xf32, #tpu.memory_space<vmem>>, vector<16xf32>,
              %mul3A_214 = arith.mulf %get3A_213, %gather3A_208 : vector<16xf32>
              %swap3A_215 = arith.constant 0 : i32
              %swap3A_216 = arith.index_cast %swap3A_215 : i32 to index
              %swap3A_217 = arith.index_cast %scan3A_198 : i32 to index
              %swap3A_218 = arith.constant 0 : index
              %swap3A_219 = tpu.vector_load %arg15[%swap3A_216, %swap3A_217, %swap3A_218] {strides = array<i32>} : memref<1x64x128xf32, #tpu.memory_space<vmem>>, vector<16xf32>,
              tpu.vector_store %arg15[%swap3A_216, %swap3A_217, %swap3A_218], %mul3A_214 {strides = array<i32>} : memref<1x64x128xf32, #tpu.memory_space<vmem>>, vector<16xf32>,
              %get3A_220 = arith.constant 0 : i32
              %get3A_221 = arith.index_cast %get3A_220 : i32 to index
              %get3A_222 = arith.index_cast %scan3A_198 : i32 to index
              %get3A_223 = arith.constant 16 : index
              %get3A_224 = tpu.vector_load %arg15[%get3A_221, %get3A_222, %get3A_223] {strides = array<i32>} : memref<1x64x128xf32, #tpu.memory_space<vmem>>, vector<16xf32>,
              %mul3A_225 = arith.mulf %get3A_224, %gather3A_208 : vector<16xf32>
              %swap3A_226 = arith.constant 0 : i32
              %swap3A_227 = arith.index_cast %swap3A_226 : i32 to index
              %swap3A_228 = arith.index_cast %scan3A_198 : i32 to index
              %swap3A_229 = arith.constant 16 : index
              %swap3A_230 = tpu.vector_load %arg15[%swap3A_227, %swap3A_228, %swap3A_229] {strides = array<i32>} : memref<1x64x128xf32, #tpu.memory_space<vmem>>, vector<16xf32>,
              tpu.vector_store %arg15[%swap3A_227, %swap3A_228, %swap3A_229], %mul3A_225 {strides = array<i32>} : memref<1x64x128xf32, #tpu.memory_space<vmem>>, vector<16xf32>,
              %get3A_231 = arith.constant 0 : i32
              %get3A_232 = arith.index_cast %get3A_231 : i32 to index
              %get3A_233 = arith.index_cast %scan3A_198 : i32 to index
              %get3A_234 = arith.constant 32 : index
              %get3A_235 = tpu.vector_load %arg15[%get3A_232, %get3A_233, %get3A_234] {strides = array<i32>} : memref<1x64x128xf32, #tpu.memory_space<vmem>>, vector<16xf32>,
              %mul3A_236 = arith.mulf %get3A_235, %gather3A_208 : vector<16xf32>
              %swap3A_237 = arith.constant 0 : i32
              %swap3A_238 = arith.index_cast %swap3A_237 : i32 to index
              %swap3A_239 = arith.index_cast %scan3A_198 : i32 to index
              %swap3A_240 = arith.constant 32 : index
              %swap3A_241 = tpu.vector_load %arg15[%swap3A_238, %swap3A_239, %swap3A_240] {strides = array<i32>} : memref<1x64x128xf32, #tpu.memory_space<vmem>>, vector<16xf32>,
              tpu.vector_store %arg15[%swap3A_238, %swap3A_239, %swap3A_240], %mul3A_236 {strides = array<i32>} : memref<1x64x128xf32, #tpu.memory_space<vmem>>, vector<16xf32>,
              %get3A_242 = arith.constant 0 : i32
              %get3A_243 = arith.index_cast %get3A_242 : i32 to index
              %get3A_244 = arith.index_cast %scan3A_198 : i32 to index
              %get3A_245 = arith.constant 48 : index
              %get3A_246 = tpu.vector_load %arg15[%get3A_243, %get3A_244, %get3A_245] {strides = array<i32>} : memref<1x64x128xf32, #tpu.memory_space<vmem>>, vector<16xf32>,
              %mul3A_247 = arith.mulf %get3A_246, %gather3A_208 : vector<16xf32>
              %swap3A_248 = arith.constant 0 : i32
              %swap3A_249 = arith.index_cast %swap3A_248 : i32 to index
              %swap3A_250 = arith.index_cast %scan3A_198 : i32 to index
              %swap3A_251 = arith.constant 48 : index
              %swap3A_252 = tpu.vector_load %arg15[%swap3A_249, %swap3A_250, %swap3A_251] {strides = array<i32>} : memref<1x64x128xf32, #tpu.memory_space<vmem>>, vector<16xf32>,
              tpu.vector_store %arg15[%swap3A_249, %swap3A_250, %swap3A_251], %mul3A_247 {strides = array<i32>} : memref<1x64x128xf32, #tpu.memory_space<vmem>>, vector<16xf32>,
              %get3A_253 = arith.constant 0 : i32
              %get3A_254 = arith.index_cast %get3A_253 : i32 to index
              %get3A_255 = arith.index_cast %scan3A_198 : i32 to index
              %get3A_256 = arith.constant 64 : index
              %get3A_257 = tpu.vector_load %arg15[%get3A_254, %get3A_255, %get3A_256] {strides = array<i32>} : memref<1x64x128xf32, #tpu.memory_space<vmem>>, vector<16xf32>,
              %mul3A_258 = arith.mulf %get3A_257, %gather3A_208 : vector<16xf32>
              %swap3A_259 = arith.constant 0 : i32
              %swap3A_260 = arith.index_cast %swap3A_259 : i32 to index
              %swap3A_261 = arith.index_cast %scan3A_198 : i32 to index
              %swap3A_262 = arith.constant 64 : index
              %swap3A_263 = tpu.vector_load %arg15[%swap3A_260, %swap3A_261, %swap3A_262] {strides = array<i32>} : memref<1x64x128xf32, #tpu.memory_space<vmem>>, vector<16xf32>,
              tpu.vector_store %arg15[%swap3A_260, %swap3A_261, %swap3A_262], %mul3A_258 {strides = array<i32>} : memref<1x64x128xf32, #tpu.memory_space<vmem>>, vector<16xf32>,
              %get3A_264 = arith.constant 0 : i32
              %get3A_265 = arith.index_cast %get3A_264 : i32 to index
              %get3A_266 = arith.index_cast %scan3A_198 : i32 to index
              %get3A_267 = arith.constant 80 : index
              %get3A_268 = tpu.vector_load %arg15[%get3A_265, %get3A_266, %get3A_267] {strides = array<i32>} : memref<1x64x128xf32, #tpu.memory_space<vmem>>, vector<16xf32>,
              %mul3A_269 = arith.mulf %get3A_268, %gather3A_208 : vector<16xf32>
              %swap3A_270 = arith.constant 0 : i32
              %swap3A_271 = arith.index_cast %swap3A_270 : i32 to index
              %swap3A_272 = arith.index_cast %scan3A_198 : i32 to index
              %swap3A_273 = arith.constant 80 : index
              %swap3A_274 = tpu.vector_load %arg15[%swap3A_271, %swap3A_272, %swap3A_273] {strides = array<i32>} : memref<1x64x128xf32, #tpu.memory_space<vmem>>, vector<16xf32>,
              tpu.vector_store %arg15[%swap3A_271, %swap3A_272, %swap3A_273], %mul3A_269 {strides = array<i32>} : memref<1x64x128xf32, #tpu.memory_space<vmem>>, vector<16xf32>,
              %get3A_275 = arith.constant 0 : i32
              %get3A_276 = arith.index_cast %get3A_275 : i32 to index
              %get3A_277 = arith.index_cast %scan3A_198 : i32 to index
              %get3A_278 = arith.constant 96 : index
              %get3A_279 = tpu.vector_load %arg15[%get3A_276, %get3A_277, %get3A_278] {strides = array<i32>} : memref<1x64x128xf32, #tpu.memory_space<vmem>>, vector<16xf32>,
              %mul3A_280 = arith.mulf %get3A_279, %gather3A_208 : vector<16xf32>
              %swap3A_281 = arith.constant 0 : i32
              %swap3A_282 = arith.index_cast %swap3A_281 : i32 to index
              %swap3A_283 = arith.index_cast %scan3A_198 : i32 to index
              %swap3A_284 = arith.constant 96 : index
              %swap3A_285 = tpu.vector_load %arg15[%swap3A_282, %swap3A_283, %swap3A_284] {strides = array<i32>} : memref<1x64x128xf32, #tpu.memory_space<vmem>>, vector<16xf32>,
              tpu.vector_store %arg15[%swap3A_282, %swap3A_283, %swap3A_284], %mul3A_280 {strides = array<i32>} : memref<1x64x128xf32, #tpu.memory_space<vmem>>, vector<16xf32>,
              %get3A_286 = arith.constant 0 : i32
              %get3A_287 = arith.index_cast %get3A_286 : i32 to index
              %get3A_288 = arith.index_cast %scan3A_198 : i32 to index
              %get3A_289 = arith.constant 112 : index
              %get3A_290 = tpu.vector_load %arg15[%get3A_287, %get3A_288, %get3A_289] {strides = array<i32>} : memref<1x64x128xf32, #tpu.memory_space<vmem>>, vector<16xf32>,
              %mul3A_291 = arith.mulf %get3A_290, %gather3A_208 : vector<16xf32>
              %swap3A_292 = arith.constant 0 : i32
              %swap3A_293 = arith.index_cast %swap3A_292 : i32 to index
              %swap3A_294 = arith.index_cast %scan3A_198 : i32 to index
              %swap3A_295 = arith.constant 112 : index
              %swap3A_296 = tpu.vector_load %arg15[%swap3A_293, %swap3A_294, %swap3A_295] {strides = array<i32>} : memref<1x64x128xf32, #tpu.memory_space<vmem>>, vector<16xf32>,
              tpu.vector_store %arg15[%swap3A_293, %swap3A_294, %swap3A_295], %mul3A_291 {strides = array<i32>} : memref<1x64x128xf32, #tpu.memory_space<vmem>>, vector<16xf32>,
              %scan3A_297 = arith.constant 0 : i32
              scf.yield %scan3A_297 : i32
            }
            %scan3A_193 = arith.constant 64 : i32
            %run_scoped3A_194 = arith.constant 0 : i32
            %run_scoped3A_195 = arith.constant 0 : i32
            "tpu.region"() ({
              %run_scoped3A_198 = tpu.sem_alloc : memref<!tpu.dma_semaphore, #tpu.memory_space<semaphore_mem>>
              %dma_start3A = arith.constant 0 : i32
              %dma_start3A_199 = arith.constant 0 : i32
              %dma_start3A_200 = tpu.memref_slice %arg15[%run_scoped3A_194, %dma_start3A, %dma_start3A_199] : memref<1x64x128xf32, #tpu.memory_space<vmem>> -> memref<1x64x128xf32, #tpu.memory_space<vmem>>
              %dma_start3A_201 = tpu.memref_squeeze %dma_start3A_200 : memref<1x64x128xf32, #tpu.memory_space<vmem>> -> memref<64x128xf32, #tpu.memory_space<vmem>>
              %dma_start3A_202 = arith.constant 0 : i32
              %dma_start3A_203 = tpu.memref_slice %arg16[%run_scoped3A_195, %dma_start3A_202] : memref<1x64xi32, #tpu.memory_space<vmem>> -> memref<1x64xi32, #tpu.memory_space<vmem>>
              %dma_start3A_204 = tpu.memref_squeeze %dma_start3A_203 : memref<1x64xi32, #tpu.memory_space<vmem>> -> memref<64xi32, #tpu.memory_space<vmem>>
              %dma_start3A_205 = arith.constant 0 : i32
              %dma_start3A_206 = arith.constant 0 : i32
              %dma_start3A_207 = tpu.memref_slice %arg7[%dma_start3A_205, %dma_start3A_206] : memref<6272x128xf32, #tpu.memory_space<vmem_shared>> -> memref<6272x128xf32, #tpu.memory_space<vmem_shared>>
              tpu.enqueue_indirect_dma source(%dma_start3A_201 : memref<64x128xf32, #tpu.memory_space<vmem>>) target(%dma_start3A_207 : memref<6272x128xf32, #tpu.memory_space<vmem_shared>>) offsets(%dma_start3A_204 : memref<64xi32, #tpu.memory_space<vmem>>) semaphore(%run_scoped3A_198 : memref<!tpu.dma_semaphore, #tpu.memory_space<semaphore_mem>>) {add = true}
              %dma_wait3A = arith.constant 0 : i32
              %dma_wait3A_208 = arith.constant 0 : i32
              %dma_wait3A_209 = tpu.memref_slice %arg15[%run_scoped3A_194, %dma_wait3A, %dma_wait3A_208] : memref<1x64x128xf32, #tpu.memory_space<vmem>> -> memref<1x64x128xf32, #tpu.memory_space<vmem>>
              %dma_wait3A_210 = tpu.memref_squeeze %dma_wait3A_209 : memref<1x64x128xf32, #tpu.memory_space<vmem>> -> memref<64x128xf32, #tpu.memory_space<vmem>>
              %dma_wait3A_211 = arith.constant 0 : i32
              %dma_wait3A_212 = tpu.memref_slice %arg16[%run_scoped3A_195, %dma_wait3A_211] : memref<1x64xi32, #tpu.memory_space<vmem>> -> memref<1x64xi32, #tpu.memory_space<vmem>>
              %dma_wait3A_213 = tpu.memref_squeeze %dma_wait3A_212 : memref<1x64xi32, #tpu.memory_space<vmem>> -> memref<64xi32, #tpu.memory_space<vmem>>
              %dma_wait3A_214 = arith.constant 0 : i32
              %dma_wait3A_215 = arith.constant 0 : i32
              %dma_wait3A_216 = tpu.memref_slice %arg7[%dma_wait3A_214, %dma_wait3A_215] : memref<6272x128xf32, #tpu.memory_space<vmem_shared>> -> memref<6272x128xf32, #tpu.memory_space<vmem_shared>>
              tpu.wait_indirect_dma semaphore(%run_scoped3A_198 : memref<!tpu.dma_semaphore, #tpu.memory_space<semaphore_mem>>) src(%dma_wait3A_210 : memref<64x128xf32, #tpu.memory_space<vmem>>) dst(%dma_wait3A_216 : memref<6272x128xf32, #tpu.memory_space<vmem_shared>>)
              tpu.yield
            }) : () -> ()
            %convert_element_type3A = arith.extui %lt3A_15 : i1 to i32
            %cond3A = arith.constant 0 : i32
            %cond3A_196 = arith.cmpi ne, %convert_element_type3A, %cond3A : i32
            scf.if %cond3A_196 {
              %run_scoped3A_198 = arith.constant 0 : i32
              "tpu.region"() ({
                %run_scoped3A_199 = tpu.sem_alloc : memref<!tpu.dma_semaphore, #tpu.memory_space<semaphore_mem>>
                %dma_start3A = arith.constant 0 : i32
                %dma_start3A_200 = tpu.memref_slice %arg16[%run_scoped3A_198, %dma_start3A] : memref<1x64xi32, #tpu.memory_space<vmem>> -> memref<1x64xi32, #tpu.memory_space<vmem>>
                %dma_start3A_201 = tpu.memref_squeeze %dma_start3A_200 : memref<1x64xi32, #tpu.memory_space<vmem>> -> memref<64xi32, #tpu.memory_space<vmem>>
                %dma_start3A_202 = arith.constant 0 : i32
                %dma_start3A_203 = arith.constant 0 : i32
                %dma_start3A_204 = tpu.memref_slice %arg8[%dma_start3A_202, %dma_start3A_203] : memref<6272x16xf32, #tpu.memory_space<vmem_shared>> -> memref<6272x16xf32, #tpu.memory_space<vmem_shared>>
                tpu.enqueue_indirect_dma source(%arg19 : memref<64x16xf32, #tpu.memory_space<vmem>>) target(%dma_start3A_204 : memref<6272x16xf32, #tpu.memory_space<vmem_shared>>) offsets(%dma_start3A_201 : memref<64xi32, #tpu.memory_space<vmem>>) semaphore(%run_scoped3A_199 : memref<!tpu.dma_semaphore, #tpu.memory_space<semaphore_mem>>) {add = true}
                %dma_wait3A = arith.constant 0 : i32
                %dma_wait3A_205 = tpu.memref_slice %arg16[%run_scoped3A_198, %dma_wait3A] : memref<1x64xi32, #tpu.memory_space<vmem>> -> memref<1x64xi32, #tpu.memory_space<vmem>>
                %dma_wait3A_206 = tpu.memref_squeeze %dma_wait3A_205 : memref<1x64xi32, #tpu.memory_space<vmem>> -> memref<64xi32, #tpu.memory_space<vmem>>
                %dma_wait3A_207 = arith.constant 0 : i32
                %dma_wait3A_208 = arith.constant 0 : i32
                %dma_wait3A_209 = tpu.memref_slice %arg8[%dma_wait3A_207, %dma_wait3A_208] : memref<6272x16xf32, #tpu.memory_space<vmem_shared>> -> memref<6272x16xf32, #tpu.memory_space<vmem_shared>>
                tpu.wait_indirect_dma semaphore(%run_scoped3A_199 : memref<!tpu.dma_semaphore, #tpu.memory_space<semaphore_mem>>) src(%arg19 : memref<64x16xf32, #tpu.memory_space<vmem>>) dst(%dma_wait3A_209 : memref<6272x16xf32, #tpu.memory_space<vmem_shared>>)
                tpu.yield
              }) : () -> ()
            } else {
            }
            %while3A_197 = arith.constant 0 : i32
            scf.yield %while3A_197 : i32
          }
          %scan3A_150 = arith.constant 0 : i32
          scf.yield %scan3A_150 : i32
        }
        %scan3A_44 = arith.constant 5 : i32
        %barrier3A_45 = arith.constant 0 : index
        tpu.barrier barrier_id(%barrier3A_45)
        %scan3A_46 = arith.constant 0 : i32
        %scan3A_47 = arith.constant 0 : i32
        %scan3A_48 = arith.constant 7 : i32
        %scan3A_49 = arith.addi %scan3A_47, %scan3A_48 : i32
        %scan3A_50 = arith.constant 1 : i32
        %scan3A_51 = scf.for %scan3A_55 = %scan3A_47 to %scan3A_49 step %scan3A_50 iter_args(%scan3A_56 = %scan3A_46) -> (i32)  : i32 {
          %mul3A_57 = arith.constant 392 : i32
          %mul3A_58 = arith.muli %arg1, %mul3A_57 : i32
          %mul3A_59 = arith.constant 56 : i32
          %mul3A_60 = arith.muli %scan3A_55, %mul3A_59 : i32
          %add3A_61 = arith.addi %mul3A_58, %mul3A_60 : i32
          %multiple_of3A = tpu.assume_multiple %add3A_61, 8 : i32
          %run_scoped3A = arith.constant 0 : i32
          "tpu.region"() ({
            %run_scoped3A_72 = tpu.sem_alloc : memref<!tpu.dma_semaphore, #tpu.memory_space<semaphore_mem>>
            %dma_start3A = arith.constant 0 : i32
            %dma_start3A_73 = arith.constant 0 : i32
            %dma_start3A_74 = tpu.memref_slice %arg15[%run_scoped3A, %dma_start3A, %dma_start3A_73] : memref<1x64x128xf32, #tpu.memory_space<vmem>> -> memref<1x56x128xf32, #tpu.memory_space<vmem>>
            %dma_start3A_75 = tpu.memref_squeeze %dma_start3A_74 : memref<1x56x128xf32, #tpu.memory_space<vmem>> -> memref<56x128xf32, #tpu.memory_space<vmem>>
            %dma_start3A_76 = arith.constant 0 : i32
            %dma_start3A_77 = tpu.memref_slice %arg7[%multiple_of3A, %dma_start3A_76] : memref<6272x128xf32, #tpu.memory_space<vmem_shared>> -> memref<56x128xf32, #tpu.memory_space<vmem_shared>>
            %dma_start3A_78 = arith.constant 0 : i32
            %dma_start3A_79 = arith.constant 0 : i32
            %dma_start3A_80 = tpu.memref_slice %arg15[%run_scoped3A, %dma_start3A_78, %dma_start3A_79] : memref<1x64x128xf32, #tpu.memory_space<vmem>> -> memref<1x56x128xf32, #tpu.memory_space<vmem>>
            %dma_start3A_81 = tpu.memref_squeeze %dma_start3A_80 : memref<1x56x128xf32, #tpu.memory_space<vmem>> -> memref<56x128xf32, #tpu.memory_space<vmem>>
            %dma_start3A_82 = arith.constant 0 : i32
            %dma_start3A_83 = tpu.memref_slice %arg7[%multiple_of3A, %dma_start3A_82] : memref<6272x128xf32, #tpu.memory_space<vmem_shared>> -> memref<56x128xf32, #tpu.memory_space<vmem_shared>>
            tpu.enqueue_dma source(%dma_start3A_83 : memref<56x128xf32, #tpu.memory_space<vmem_shared>>) target(%dma_start3A_81 : memref<56x128xf32, #tpu.memory_space<vmem>>) target_semaphore(%run_scoped3A_72 : memref<!tpu.dma_semaphore, #tpu.memory_space<semaphore_mem>>)
            %dma_wait3A = arith.constant 0 : i32
            %dma_wait3A_84 = arith.constant 0 : i32
            %dma_wait3A_85 = tpu.memref_slice %arg15[%run_scoped3A, %dma_wait3A, %dma_wait3A_84] : memref<1x64x128xf32, #tpu.memory_space<vmem>> -> memref<1x56x128xf32, #tpu.memory_space<vmem>>
            %dma_wait3A_86 = tpu.memref_squeeze %dma_wait3A_85 : memref<1x56x128xf32, #tpu.memory_space<vmem>> -> memref<56x128xf32, #tpu.memory_space<vmem>>
            %dma_wait3A_87 = arith.constant 0 : i32
            %dma_wait3A_88 = tpu.memref_slice %arg7[%multiple_of3A, %dma_wait3A_87] : memref<6272x128xf32, #tpu.memory_space<vmem_shared>> -> memref<56x128xf32, #tpu.memory_space<vmem_shared>>
            %dma_wait3A_89 = arith.constant 0 : i32
            %dma_wait3A_90 = arith.constant 0 : i32
            %dma_wait3A_91 = tpu.memref_slice %arg15[%run_scoped3A, %dma_wait3A_89, %dma_wait3A_90] : memref<1x64x128xf32, #tpu.memory_space<vmem>> -> memref<1x56x128xf32, #tpu.memory_space<vmem>>
            %dma_wait3A_92 = tpu.memref_squeeze %dma_wait3A_91 : memref<1x56x128xf32, #tpu.memory_space<vmem>> -> memref<56x128xf32, #tpu.memory_space<vmem>>
            %dma_wait3A_93 = arith.constant 0 : i32
            %dma_wait3A_94 = tpu.memref_slice %arg7[%multiple_of3A, %dma_wait3A_93] : memref<6272x128xf32, #tpu.memory_space<vmem_shared>> -> memref<56x128xf32, #tpu.memory_space<vmem_shared>>
            tpu.wait_dma2 semaphore(%run_scoped3A_72 : memref<!tpu.dma_semaphore, #tpu.memory_space<semaphore_mem>>) src(%dma_wait3A_94 : memref<56x128xf32, #tpu.memory_space<vmem_shared>>) dst(%dma_wait3A_92 : memref<56x128xf32, #tpu.memory_space<vmem>>)
            tpu.yield
          }) : () -> ()
          "tpu.region"() ({
            %run_scoped3A_72 = tpu.sem_alloc : memref<!tpu.dma_semaphore, #tpu.memory_space<semaphore_mem>>
            %dma_start3A = arith.constant 0 : i32
            %dma_start3A_73 = arith.constant 0 : i32
            %dma_start3A_74 = tpu.memref_slice %arg17[%dma_start3A, %dma_start3A_73] : memref<64x16xf32, #tpu.memory_space<vmem>> -> memref<56x16xf32, #tpu.memory_space<vmem>>
            %dma_start3A_75 = arith.constant 0 : i32
            %dma_start3A_76 = tpu.memref_slice %arg8[%multiple_of3A, %dma_start3A_75] : memref<6272x16xf32, #tpu.memory_space<vmem_shared>> -> memref<56x16xf32, #tpu.memory_space<vmem_shared>>
            %dma_start3A_77 = arith.constant 0 : i32
            %dma_start3A_78 = arith.constant 0 : i32
            %dma_start3A_79 = tpu.memref_slice %arg17[%dma_start3A_77, %dma_start3A_78] : memref<64x16xf32, #tpu.memory_space<vmem>> -> memref<56x16xf32, #tpu.memory_space<vmem>>
            %dma_start3A_80 = arith.constant 0 : i32
            %dma_start3A_81 = tpu.memref_slice %arg8[%multiple_of3A, %dma_start3A_80] : memref<6272x16xf32, #tpu.memory_space<vmem_shared>> -> memref<56x16xf32, #tpu.memory_space<vmem_shared>>
            tpu.enqueue_dma source(%dma_start3A_81 : memref<56x16xf32, #tpu.memory_space<vmem_shared>>) target(%dma_start3A_79 : memref<56x16xf32, #tpu.memory_space<vmem>>) target_semaphore(%run_scoped3A_72 : memref<!tpu.dma_semaphore, #tpu.memory_space<semaphore_mem>>)
            %dma_wait3A = arith.constant 0 : i32
            %dma_wait3A_82 = arith.constant 0 : i32
            %dma_wait3A_83 = tpu.memref_slice %arg17[%dma_wait3A, %dma_wait3A_82] : memref<64x16xf32, #tpu.memory_space<vmem>> -> memref<56x16xf32, #tpu.memory_space<vmem>>
            %dma_wait3A_84 = arith.constant 0 : i32
            %dma_wait3A_85 = tpu.memref_slice %arg8[%multiple_of3A, %dma_wait3A_84] : memref<6272x16xf32, #tpu.memory_space<vmem_shared>> -> memref<56x16xf32, #tpu.memory_space<vmem_shared>>
            %dma_wait3A_86 = arith.constant 0 : i32
            %dma_wait3A_87 = arith.constant 0 : i32
            %dma_wait3A_88 = tpu.memref_slice %arg17[%dma_wait3A_86, %dma_wait3A_87] : memref<64x16xf32, #tpu.memory_space<vmem>> -> memref<56x16xf32, #tpu.memory_space<vmem>>
            %dma_wait3A_89 = arith.constant 0 : i32
            %dma_wait3A_90 = tpu.memref_slice %arg8[%multiple_of3A, %dma_wait3A_89] : memref<6272x16xf32, #tpu.memory_space<vmem_shared>> -> memref<56x16xf32, #tpu.memory_space<vmem_shared>>
            tpu.wait_dma2 semaphore(%run_scoped3A_72 : memref<!tpu.dma_semaphore, #tpu.memory_space<semaphore_mem>>) src(%dma_wait3A_90 : memref<56x16xf32, #tpu.memory_space<vmem_shared>>) dst(%dma_wait3A_88 : memref<56x16xf32, #tpu.memory_space<vmem>>)
            tpu.yield
          }) : () -> ()
          %scan3A_62 = arith.constant 0 : i32
          %scan3A_63 = arith.constant 0 : i32
          %scan3A_64 = arith.constant 56 : i32
          %scan3A_65 = arith.addi %scan3A_63, %scan3A_64 : i32
          %scan3A_66 = arith.constant 1 : i32
          %scan3A_67 = scf.for %scan3A_72 = %scan3A_63 to %scan3A_65 step %scan3A_66 iter_args(%scan3A_73 = %scan3A_62) -> (i32)  : i32 {
            %get3A = arith.index_cast %scan3A_72 : i32 to index
            %get3A_74 = arith.constant 0 : index
            %get3A_75 = tpu.vector_load %arg17[%get3A, %get3A_74] {strides = array<i32>} : memref<64x16xf32, #tpu.memory_space<vmem>>, vector<16xf32>,
            %max3A = arith.constant 1.000000e+00 : f32
            %max3A_76 = vector.broadcast %max3A : f32 to vector<16xf32>
            %max3A_77 = arith.maximumf %get3A_75, %max3A_76 : vector<16xf32>
            %div3A = arith.constant 1.000000e+00 : f32
            %div3A_78 = vector.broadcast %div3A : f32 to vector<16xf32>
            %div3A_79 = arith.divf %div3A_78, %max3A_77 : vector<16xf32>
            %broadcast_in_dim3A = arith.constant 1.000000e+00 : f32
            %broadcast_in_dim3A_80 = vector.broadcast %broadcast_in_dim3A : f32 to vector<16xf32>
            %select_n3A = arith.select %lt3A_15, %div3A_79, %broadcast_in_dim3A_80 : vector<16xf32>
            %get3A_81 = arith.constant 0 : i32
            %get3A_82 = arith.index_cast %get3A_81 : i32 to index
            %get3A_83 = arith.index_cast %scan3A_72 : i32 to index
            %get3A_84 = arith.constant 0 : index
            %get3A_85 = tpu.vector_load %arg15[%get3A_82, %get3A_83, %get3A_84] {strides = array<i32>} : memref<1x64x128xf32, #tpu.memory_space<vmem>>, vector<16xf32>,
            %mul3A_86 = arith.mulf %get3A_85, %select_n3A : vector<16xf32>
            %swap3A = arith.constant 0 : i32
            %swap3A_87 = arith.index_cast %swap3A : i32 to index
            %swap3A_88 = arith.index_cast %scan3A_72 : i32 to index
            %swap3A_89 = arith.constant 0 : index
            %swap3A_90 = tpu.vector_load %arg15[%swap3A_87, %swap3A_88, %swap3A_89] {strides = array<i32>} : memref<1x64x128xf32, #tpu.memory_space<vmem>>, vector<16xf32>,
            tpu.vector_store %arg15[%swap3A_87, %swap3A_88, %swap3A_89], %mul3A_86 {strides = array<i32>} : memref<1x64x128xf32, #tpu.memory_space<vmem>>, vector<16xf32>,
            %get3A_91 = arith.constant 0 : i32
            %get3A_92 = arith.index_cast %get3A_91 : i32 to index
            %get3A_93 = arith.index_cast %scan3A_72 : i32 to index
            %get3A_94 = arith.constant 16 : index
            %get3A_95 = tpu.vector_load %arg15[%get3A_92, %get3A_93, %get3A_94] {strides = array<i32>} : memref<1x64x128xf32, #tpu.memory_space<vmem>>, vector<16xf32>,
            %mul3A_96 = arith.mulf %get3A_95, %select_n3A : vector<16xf32>
            %swap3A_97 = arith.constant 0 : i32
            %swap3A_98 = arith.index_cast %swap3A_97 : i32 to index
            %swap3A_99 = arith.index_cast %scan3A_72 : i32 to index
            %swap3A_100 = arith.constant 16 : index
            %swap3A_101 = tpu.vector_load %arg15[%swap3A_98, %swap3A_99, %swap3A_100] {strides = array<i32>} : memref<1x64x128xf32, #tpu.memory_space<vmem>>, vector<16xf32>,
            tpu.vector_store %arg15[%swap3A_98, %swap3A_99, %swap3A_100], %mul3A_96 {strides = array<i32>} : memref<1x64x128xf32, #tpu.memory_space<vmem>>, vector<16xf32>,
            %get3A_102 = arith.constant 0 : i32
            %get3A_103 = arith.index_cast %get3A_102 : i32 to index
            %get3A_104 = arith.index_cast %scan3A_72 : i32 to index
            %get3A_105 = arith.constant 32 : index
            %get3A_106 = tpu.vector_load %arg15[%get3A_103, %get3A_104, %get3A_105] {strides = array<i32>} : memref<1x64x128xf32, #tpu.memory_space<vmem>>, vector<16xf32>,
            %mul3A_107 = arith.mulf %get3A_106, %select_n3A : vector<16xf32>
            %swap3A_108 = arith.constant 0 : i32
            %swap3A_109 = arith.index_cast %swap3A_108 : i32 to index
            %swap3A_110 = arith.index_cast %scan3A_72 : i32 to index
            %swap3A_111 = arith.constant 32 : index
            %swap3A_112 = tpu.vector_load %arg15[%swap3A_109, %swap3A_110, %swap3A_111] {strides = array<i32>} : memref<1x64x128xf32, #tpu.memory_space<vmem>>, vector<16xf32>,
            tpu.vector_store %arg15[%swap3A_109, %swap3A_110, %swap3A_111], %mul3A_107 {strides = array<i32>} : memref<1x64x128xf32, #tpu.memory_space<vmem>>, vector<16xf32>,
            %get3A_113 = arith.constant 0 : i32
            %get3A_114 = arith.index_cast %get3A_113 : i32 to index
            %get3A_115 = arith.index_cast %scan3A_72 : i32 to index
            %get3A_116 = arith.constant 48 : index
            %get3A_117 = tpu.vector_load %arg15[%get3A_114, %get3A_115, %get3A_116] {strides = array<i32>} : memref<1x64x128xf32, #tpu.memory_space<vmem>>, vector<16xf32>,
            %mul3A_118 = arith.mulf %get3A_117, %select_n3A : vector<16xf32>
            %swap3A_119 = arith.constant 0 : i32
            %swap3A_120 = arith.index_cast %swap3A_119 : i32 to index
            %swap3A_121 = arith.index_cast %scan3A_72 : i32 to index
            %swap3A_122 = arith.constant 48 : index
            %swap3A_123 = tpu.vector_load %arg15[%swap3A_120, %swap3A_121, %swap3A_122] {strides = array<i32>} : memref<1x64x128xf32, #tpu.memory_space<vmem>>, vector<16xf32>,
            tpu.vector_store %arg15[%swap3A_120, %swap3A_121, %swap3A_122], %mul3A_118 {strides = array<i32>} : memref<1x64x128xf32, #tpu.memory_space<vmem>>, vector<16xf32>,
            %get3A_124 = arith.constant 0 : i32
            %get3A_125 = arith.index_cast %get3A_124 : i32 to index
            %get3A_126 = arith.index_cast %scan3A_72 : i32 to index
            %get3A_127 = arith.constant 64 : index
            %get3A_128 = tpu.vector_load %arg15[%get3A_125, %get3A_126, %get3A_127] {strides = array<i32>} : memref<1x64x128xf32, #tpu.memory_space<vmem>>, vector<16xf32>,
            %mul3A_129 = arith.mulf %get3A_128, %select_n3A : vector<16xf32>
            %swap3A_130 = arith.constant 0 : i32
            %swap3A_131 = arith.index_cast %swap3A_130 : i32 to index
            %swap3A_132 = arith.index_cast %scan3A_72 : i32 to index
            %swap3A_133 = arith.constant 64 : index
            %swap3A_134 = tpu.vector_load %arg15[%swap3A_131, %swap3A_132, %swap3A_133] {strides = array<i32>} : memref<1x64x128xf32, #tpu.memory_space<vmem>>, vector<16xf32>,
            tpu.vector_store %arg15[%swap3A_131, %swap3A_132, %swap3A_133], %mul3A_129 {strides = array<i32>} : memref<1x64x128xf32, #tpu.memory_space<vmem>>, vector<16xf32>,
            %get3A_135 = arith.constant 0 : i32
            %get3A_136 = arith.index_cast %get3A_135 : i32 to index
            %get3A_137 = arith.index_cast %scan3A_72 : i32 to index
            %get3A_138 = arith.constant 80 : index
            %get3A_139 = tpu.vector_load %arg15[%get3A_136, %get3A_137, %get3A_138] {strides = array<i32>} : memref<1x64x128xf32, #tpu.memory_space<vmem>>, vector<16xf32>,
            %mul3A_140 = arith.mulf %get3A_139, %select_n3A : vector<16xf32>
            %swap3A_141 = arith.constant 0 : i32
            %swap3A_142 = arith.index_cast %swap3A_141 : i32 to index
            %swap3A_143 = arith.index_cast %scan3A_72 : i32 to index
            %swap3A_144 = arith.constant 80 : index
            %swap3A_145 = tpu.vector_load %arg15[%swap3A_142, %swap3A_143, %swap3A_144] {strides = array<i32>} : memref<1x64x128xf32, #tpu.memory_space<vmem>>, vector<16xf32>,
            tpu.vector_store %arg15[%swap3A_142, %swap3A_143, %swap3A_144], %mul3A_140 {strides = array<i32>} : memref<1x64x128xf32, #tpu.memory_space<vmem>>, vector<16xf32>,
            %get3A_146 = arith.constant 0 : i32
            %get3A_147 = arith.index_cast %get3A_146 : i32 to index
            %get3A_148 = arith.index_cast %scan3A_72 : i32 to index
            %get3A_149 = arith.constant 96 : index
            %get3A_150 = tpu.vector_load %arg15[%get3A_147, %get3A_148, %get3A_149] {strides = array<i32>} : memref<1x64x128xf32, #tpu.memory_space<vmem>>, vector<16xf32>,
            %mul3A_151 = arith.mulf %get3A_150, %select_n3A : vector<16xf32>
            %swap3A_152 = arith.constant 0 : i32
            %swap3A_153 = arith.index_cast %swap3A_152 : i32 to index
            %swap3A_154 = arith.index_cast %scan3A_72 : i32 to index
            %swap3A_155 = arith.constant 96 : index
            %swap3A_156 = tpu.vector_load %arg15[%swap3A_153, %swap3A_154, %swap3A_155] {strides = array<i32>} : memref<1x64x128xf32, #tpu.memory_space<vmem>>, vector<16xf32>,
            tpu.vector_store %arg15[%swap3A_153, %swap3A_154, %swap3A_155], %mul3A_151 {strides = array<i32>} : memref<1x64x128xf32, #tpu.memory_space<vmem>>, vector<16xf32>,
            %get3A_157 = arith.constant 0 : i32
            %get3A_158 = arith.index_cast %get3A_157 : i32 to index
            %get3A_159 = arith.index_cast %scan3A_72 : i32 to index
            %get3A_160 = arith.constant 112 : index
            %get3A_161 = tpu.vector_load %arg15[%get3A_158, %get3A_159, %get3A_160] {strides = array<i32>} : memref<1x64x128xf32, #tpu.memory_space<vmem>>, vector<16xf32>,
            %mul3A_162 = arith.mulf %get3A_161, %select_n3A : vector<16xf32>
            %swap3A_163 = arith.constant 0 : i32
            %swap3A_164 = arith.index_cast %swap3A_163 : i32 to index
            %swap3A_165 = arith.index_cast %scan3A_72 : i32 to index
            %swap3A_166 = arith.constant 112 : index
            %swap3A_167 = tpu.vector_load %arg15[%swap3A_164, %swap3A_165, %swap3A_166] {strides = array<i32>} : memref<1x64x128xf32, #tpu.memory_space<vmem>>, vector<16xf32>,
            tpu.vector_store %arg15[%swap3A_164, %swap3A_165, %swap3A_166], %mul3A_162 {strides = array<i32>} : memref<1x64x128xf32, #tpu.memory_space<vmem>>, vector<16xf32>,
            %scan3A_168 = arith.constant 0 : i32
            scf.yield %scan3A_168 : i32
          }
          %scan3A_68 = arith.constant 56 : i32
          %add3A_69 = arith.addi %mul3A_30, %multiple_of3A : i32
          %run_scoped3A_70 = arith.constant 0 : i32
          "tpu.region"() ({
            %run_scoped3A_72 = tpu.sem_alloc : memref<!tpu.dma_semaphore, #tpu.memory_space<semaphore_mem>>
            %dma_start3A = arith.constant 0 : i32
            %dma_start3A_73 = arith.constant 0 : i32
            %dma_start3A_74 = tpu.memref_slice %arg15[%run_scoped3A_70, %dma_start3A, %dma_start3A_73] : memref<1x64x128xf32, #tpu.memory_space<vmem>> -> memref<1x56x128xf32, #tpu.memory_space<vmem>>
            %dma_start3A_75 = tpu.memref_squeeze %dma_start3A_74 : memref<1x56x128xf32, #tpu.memory_space<vmem>> -> memref<56x128xf32, #tpu.memory_space<vmem>>
            %dma_start3A_76 = arith.constant 0 : i32
            %dma_start3A_77 = tpu.memref_slice %arg6[%scan3A_13, %add3A_69, %dma_start3A_76] : memref<3x50176x128xf32, #tpu.memory_space<hbm>> -> memref<1x56x128xf32, #tpu.memory_space<hbm>>
            %dma_start3A_78 = tpu.memref_squeeze %dma_start3A_77 : memref<1x56x128xf32, #tpu.memory_space<hbm>> -> memref<56x128xf32, #tpu.memory_space<hbm>>
            %dma_start3A_79 = arith.constant 0 : i32
            %dma_start3A_80 = tpu.memref_slice %arg6[%scan3A_13, %add3A_69, %dma_start3A_79] : memref<3x50176x128xf32, #tpu.memory_space<hbm>> -> memref<1x56x128xf32, #tpu.memory_space<hbm>>
            %dma_start3A_81 = tpu.memref_squeeze %dma_start3A_80 : memref<1x56x128xf32, #tpu.memory_space<hbm>> -> memref<56x128xf32, #tpu.memory_space<hbm>>
            %dma_start3A_82 = arith.constant 0 : i32
            %dma_start3A_83 = arith.constant 0 : i32
            %dma_start3A_84 = tpu.memref_slice %arg15[%run_scoped3A_70, %dma_start3A_82, %dma_start3A_83] : memref<1x64x128xf32, #tpu.memory_space<vmem>> -> memref<1x56x128xf32, #tpu.memory_space<vmem>>
            %dma_start3A_85 = tpu.memref_squeeze %dma_start3A_84 : memref<1x56x128xf32, #tpu.memory_space<vmem>> -> memref<56x128xf32, #tpu.memory_space<vmem>>
            tpu.enqueue_dma source(%dma_start3A_85 : memref<56x128xf32, #tpu.memory_space<vmem>>) target(%dma_start3A_81 : memref<56x128xf32, #tpu.memory_space<hbm>>) target_semaphore(%run_scoped3A_72 : memref<!tpu.dma_semaphore, #tpu.memory_space<semaphore_mem>>)
            %dma_wait3A = arith.constant 0 : i32
            %dma_wait3A_86 = arith.constant 0 : i32
            %dma_wait3A_87 = tpu.memref_slice %arg15[%run_scoped3A_70, %dma_wait3A, %dma_wait3A_86] : memref<1x64x128xf32, #tpu.memory_space<vmem>> -> memref<1x56x128xf32, #tpu.memory_space<vmem>>
            %dma_wait3A_88 = tpu.memref_squeeze %dma_wait3A_87 : memref<1x56x128xf32, #tpu.memory_space<vmem>> -> memref<56x128xf32, #tpu.memory_space<vmem>>
            %dma_wait3A_89 = arith.constant 0 : i32
            %dma_wait3A_90 = tpu.memref_slice %arg6[%scan3A_13, %add3A_69, %dma_wait3A_89] : memref<3x50176x128xf32, #tpu.memory_space<hbm>> -> memref<1x56x128xf32, #tpu.memory_space<hbm>>
            %dma_wait3A_91 = tpu.memref_squeeze %dma_wait3A_90 : memref<1x56x128xf32, #tpu.memory_space<hbm>> -> memref<56x128xf32, #tpu.memory_space<hbm>>
            %dma_wait3A_92 = arith.constant 0 : i32
            %dma_wait3A_93 = tpu.memref_slice %arg6[%scan3A_13, %add3A_69, %dma_wait3A_92] : memref<3x50176x128xf32, #tpu.memory_space<hbm>> -> memref<1x56x128xf32, #tpu.memory_space<hbm>>
            %dma_wait3A_94 = tpu.memref_squeeze %dma_wait3A_93 : memref<1x56x128xf32, #tpu.memory_space<hbm>> -> memref<56x128xf32, #tpu.memory_space<hbm>>
            %dma_wait3A_95 = arith.constant 0 : i32
            %dma_wait3A_96 = arith.constant 0 : i32
            %dma_wait3A_97 = tpu.memref_slice %arg15[%run_scoped3A_70, %dma_wait3A_95, %dma_wait3A_96] : memref<1x64x128xf32, #tpu.memory_space<vmem>> -> memref<1x56x128xf32, #tpu.memory_space<vmem>>
            %dma_wait3A_98 = tpu.memref_squeeze %dma_wait3A_97 : memref<1x56x128xf32, #tpu.memory_space<vmem>> -> memref<56x128xf32, #tpu.memory_space<vmem>>
            tpu.wait_dma2 semaphore(%run_scoped3A_72 : memref<!tpu.dma_semaphore, #tpu.memory_space<semaphore_mem>>) src(%dma_wait3A_98 : memref<56x128xf32, #tpu.memory_space<vmem>>) dst(%dma_wait3A_94 : memref<56x128xf32, #tpu.memory_space<hbm>>)
            tpu.yield
          }) : () -> ()
          %scan3A_71 = arith.constant 0 : i32
          scf.yield %scan3A_71 : i32
        }
        %scan3A_52 = arith.constant 7 : i32
        %barrier3A_53 = arith.constant 0 : index
        tpu.barrier barrier_id(%barrier3A_53)
        %scan3A_54 = arith.constant 0 : i32
        scf.yield %scan3A_54 : i32
      }
      %scan3A_22 = arith.constant 4 : i32
      %scan3A_23 = arith.constant 0 : i32
      scf.yield %scan3A_23 : i32
    }
    %scan3A_12 = arith.constant 3 : i32
    return
  }
}

module attributes {stable_mosaic.version = 14 : i64} {
  func.func @_mm_body(%arg0: i32, %arg1: memref<2000x128xf32, #tpu.memory_space<vmem>>, %arg2: memref<128x128xf32, #tpu.memory_space<vmem>>, %arg3: memref<2000x128xf32, #tpu.memory_space<vmem>>) attributes {dimension_semantics = [#tpu.dimension_semantics<arbitrary>], iteration_bounds = array<i64: 25>, scalar_prefetch = 0 : i64, scratch_operands = 0 : i64, tpu.core_type = #tpu.core_type<tc>, window_params = [{transform_indices = @transform_0, window_bounds = array<i64: 2000, 128>}, {pipeline_mode = #tpu.pipeline_mode<synchronous>, transform_indices = @transform_1, window_bounds = array<i64: 128, 128>}, {transform_indices = @transform_2, window_bounds = array<i64: 2000, 128>}]} {
    %get3A = arith.constant 0 : index
    %get3A_0 = arith.constant 0 : index
    %get3A_1 = vector.load %arg1[%get3A, %get3A_0] : memref<2000x128xf32, #tpu.memory_space<vmem>>, vector<2000x128xf32>
    %get3A_2 = arith.constant 0 : index
    %get3A_3 = arith.constant 0 : index
    %get3A_4 = vector.load %arg2[%get3A_2, %get3A_3] : memref<128x128xf32, #tpu.memory_space<vmem>>, vector<128x128xf32>
    %dot_general3A = arith.constant dense<0.000000e+00> : vector<2000x128xf32>
    %dot_general3A_5 = tpu.matmul %get3A_1, %get3A_4, %dot_general3A {dimension_numbers = #tpu.dot_dimension_numbers<[1], [0], [0], [1], [0, 0, 1, 1], [], []>, transpose_lhs_hint = false} : vector<2000x128xf32>, vector<128x128xf32>, vector<2000x128xf32> -> vector<2000x128xf32>
    %swap3A = arith.constant 0 : index
    %swap3A_6 = arith.constant 0 : index
    %swap3A_7 = vector.load %arg3[%swap3A, %swap3A_6] : memref<2000x128xf32, #tpu.memory_space<vmem>>, vector<2000x128xf32>
    tpu.vector_store %arg3[%swap3A, %swap3A_6], %dot_general3A_5 {strides = array<i32>} : memref<2000x128xf32, #tpu.memory_space<vmem>>, vector<2000x128xf32>,
    return
  }
  func.func @transform_0(%arg0: i32) -> (i32, i32) {
    %c0_i32 = arith.constant 0 : i32
    %c0_i32_0 = arith.constant 0 : i32
    return %arg0, %c0_i32 : i32, i32
  }
  func.func @transform_1(%arg0: i32) -> (i32, i32) {
    %c0_i32 = arith.constant 0 : i32
    %c0_i32_0 = arith.constant 0 : i32
    %c0_i32_1 = arith.constant 0 : i32
    return %c0_i32, %c0_i32_0 : i32, i32
  }
  func.func @transform_2(%arg0: i32) -> (i32, i32) {
    %c0_i32 = arith.constant 0 : i32
    %c0_i32_0 = arith.constant 0 : i32
    return %arg0, %c0_i32 : i32, i32
  }
}

module attributes {stable_mosaic.version = 14 : i64} {
  func.func @_attn_body(%arg0: i32, %arg1: memref<2000x128xf32, #tpu.memory_space<vmem>>, %arg2: memref<2000x128xf32, #tpu.memory_space<vmem>>, %arg3: memref<2000x128xf32, #tpu.memory_space<vmem>>, %arg4: memref<128x512xf32, #tpu.memory_space<vmem>>, %arg5: memref<1x512xf32, #tpu.memory_space<vmem>>, %arg6: memref<1x512xf32, #tpu.memory_space<vmem>>, %arg7: memref<8x128xf32, #tpu.memory_space<vmem>>) attributes {dimension_semantics = [#tpu.dimension_semantics<arbitrary>], iteration_bounds = array<i64: 25>, scalar_prefetch = 0 : i64, scratch_operands = 0 : i64, tpu.core_type = #tpu.core_type<tc>, window_params = [{transform_indices = @transform_0, window_bounds = array<i64: 2000, 128>}, {transform_indices = @transform_1, window_bounds = array<i64: 2000, 128>}, {transform_indices = @transform_2, window_bounds = array<i64: 2000, 128>}, {pipeline_mode = #tpu.pipeline_mode<synchronous>, transform_indices = @transform_3, window_bounds = array<i64: 128, 512>}, {pipeline_mode = #tpu.pipeline_mode<synchronous>, transform_indices = @transform_4, window_bounds = array<i64: 1, 512>}, {pipeline_mode = #tpu.pipeline_mode<synchronous>, transform_indices = @transform_5, window_bounds = array<i64: 1, 512>}, {pipeline_mode = #tpu.pipeline_mode<synchronous>, transform_indices = @transform_6, window_bounds = array<i64: 8, 128>}]} {
    %eq3A = arith.constant 0 : i32
    %eq3A_0 = arith.cmpi eq, %arg0, %eq3A : i32
    %convert_element_type3A = arith.extui %eq3A_0 : i1 to i32
    %cond3A = arith.constant 0 : i32
    %cond3A_1 = arith.cmpi ne, %convert_element_type3A, %cond3A : i32
    scf.if %cond3A_1 {
      %broadcast_in_dim3A_96 = arith.constant 0.000000e+00 : f32
      %broadcast_in_dim3A_97 = vector.broadcast %broadcast_in_dim3A_96 : f32 to vector<8x128xf32>
      %swap3A_98 = arith.constant 0 : index
      %swap3A_99 = arith.constant 0 : index
      %swap3A_100 = vector.load %arg7[%swap3A_98, %swap3A_99] : memref<8x128xf32, #tpu.memory_space<vmem>>, vector<8x128xf32>
      tpu.vector_store %arg7[%swap3A_98, %swap3A_99], %broadcast_in_dim3A_97 {strides = array<i32>} : memref<8x128xf32, #tpu.memory_space<vmem>>, vector<8x128xf32>,
    } else {
    }
    %get3A = arith.constant 0 : index
    %get3A_2 = arith.constant 0 : index
    %get3A_3 = vector.load %arg1[%get3A, %get3A_2] : memref<2000x128xf32, #tpu.memory_space<vmem>>, vector<2000x128xf32>
    %get3A_4 = arith.constant 0 : index
    %get3A_5 = arith.constant 0 : index
    %get3A_6 = vector.load %arg4[%get3A_4, %get3A_5] : memref<128x512xf32, #tpu.memory_space<vmem>>, vector<128x512xf32>
    %dot_general3A = arith.constant dense<0.000000e+00> : vector<2000x512xf32>
    %dot_general3A_7 = tpu.matmul %get3A_3, %get3A_6, %dot_general3A {dimension_numbers = #tpu.dot_dimension_numbers<[1], [0], [0], [1], [0, 0, 1, 1], [], []>, transpose_lhs_hint = false} : vector<2000x128xf32>, vector<128x512xf32>, vector<2000x512xf32> -> vector<2000x512xf32>
    %get3A_8 = arith.constant 0 : index
    %get3A_9 = arith.constant 0 : index
    %get3A_10 = vector.load %arg5[%get3A_8, %get3A_9] : memref<1x512xf32, #tpu.memory_space<vmem>>, vector<1x512xf32>
    %add3A = vector.broadcast %get3A_10 : vector<1x512xf32> to vector<2000x512xf32>
    %add3A_11 = arith.addf %dot_general3A_7, %add3A : vector<2000x512xf32>
    %tanh3A = math.tanh %add3A_11 : vector<2000x512xf32>
    %reduce_sum3A = arith.constant dense<0.000000e+00> : vector<512xf32>
    %reduce_sum3A_12 = vector.multi_reduction <add>, %tanh3A, %reduce_sum3A [0] : vector<2000x512xf32> to vector<512xf32>
    %broadcast_in_dim3A = vector.shape_cast %reduce_sum3A_12 : vector<512xf32> to vector<1x512xf32>
    %get3A_13 = arith.constant 0 : index
    %get3A_14 = arith.constant 0 : index
    %get3A_15 = vector.load %arg6[%get3A_13, %get3A_14] : memref<1x512xf32, #tpu.memory_space<vmem>>, vector<1x512xf32>
    %mul3A = arith.mulf %broadcast_in_dim3A, %get3A_15 : vector<1x512xf32>
    %reduce_sum3A_16 = vector.shape_cast %mul3A : vector<1x512xf32> to vector<1x1x512xf32>
    %reduce_sum3A_17 = arith.constant dense<0.000000e+00> : vector<1xf32>
    %reduce_sum3A_18 = vector.multi_reduction <add>, %reduce_sum3A_16, %reduce_sum3A_17 [1, 2] : vector<1x1x512xf32> to vector<1xf32>
    %reduce_sum3A_19 = vector.shape_cast %reduce_sum3A_18 : vector<1xf32> to vector<1x1x1xf32>
    %reduce_sum3A_20 = vector.extract %reduce_sum3A_19[0, 0, 0] : f32 from vector<1x1x1xf32>
    %get3A_21 = arith.constant 0 : index
    %get3A_22 = arith.constant 0 : index
    %get3A_23 = vector.load %arg7[%get3A_21, %get3A_22] : memref<8x128xf32, #tpu.memory_space<vmem>>, vector<1x128xf32>
    %add3A_24 = vector.broadcast %reduce_sum3A_20 : f32 to vector<1x128xf32>
    %add3A_25 = arith.addf %get3A_23, %add3A_24 : vector<1x128xf32>
    %swap3A = arith.constant 0 : index
    %swap3A_26 = arith.constant 0 : index
    %swap3A_27 = vector.load %arg7[%swap3A, %swap3A_26] : memref<8x128xf32, #tpu.memory_space<vmem>>, vector<1x128xf32>
    tpu.vector_store %arg7[%swap3A, %swap3A_26], %add3A_25 {strides = array<i32>} : memref<8x128xf32, #tpu.memory_space<vmem>>, vector<1x128xf32>,
    %get3A_28 = arith.constant 0 : index
    %get3A_29 = arith.constant 0 : index
    %get3A_30 = vector.load %arg2[%get3A_28, %get3A_29] : memref<2000x128xf32, #tpu.memory_space<vmem>>, vector<2000x128xf32>
    %get3A_31 = arith.constant 0 : index
    %get3A_32 = arith.constant 0 : index
    %get3A_33 = vector.load %arg4[%get3A_31, %get3A_32] : memref<128x512xf32, #tpu.memory_space<vmem>>, vector<128x512xf32>
    %dot_general3A_34 = arith.constant dense<0.000000e+00> : vector<2000x512xf32>
    %dot_general3A_35 = tpu.matmul %get3A_30, %get3A_33, %dot_general3A_34 {dimension_numbers = #tpu.dot_dimension_numbers<[1], [0], [0], [1], [0, 0, 1, 1], [], []>, transpose_lhs_hint = false} : vector<2000x128xf32>, vector<128x512xf32>, vector<2000x512xf32> -> vector<2000x512xf32>
    %get3A_36 = arith.constant 0 : index
    %get3A_37 = arith.constant 0 : index
    %get3A_38 = vector.load %arg5[%get3A_36, %get3A_37] : memref<1x512xf32, #tpu.memory_space<vmem>>, vector<1x512xf32>
    %add3A_39 = vector.broadcast %get3A_38 : vector<1x512xf32> to vector<2000x512xf32>
    %add3A_40 = arith.addf %dot_general3A_35, %add3A_39 : vector<2000x512xf32>
    %tanh3A_41 = math.tanh %add3A_40 : vector<2000x512xf32>
    %reduce_sum3A_42 = arith.constant dense<0.000000e+00> : vector<512xf32>
    %reduce_sum3A_43 = vector.multi_reduction <add>, %tanh3A_41, %reduce_sum3A_42 [0] : vector<2000x512xf32> to vector<512xf32>
    %broadcast_in_dim3A_44 = vector.shape_cast %reduce_sum3A_43 : vector<512xf32> to vector<1x512xf32>
    %get3A_45 = arith.constant 0 : index
    %get3A_46 = arith.constant 0 : index
    %get3A_47 = vector.load %arg6[%get3A_45, %get3A_46] : memref<1x512xf32, #tpu.memory_space<vmem>>, vector<1x512xf32>
    %mul3A_48 = arith.mulf %broadcast_in_dim3A_44, %get3A_47 : vector<1x512xf32>
    %reduce_sum3A_49 = vector.shape_cast %mul3A_48 : vector<1x512xf32> to vector<1x1x512xf32>
    %reduce_sum3A_50 = arith.constant dense<0.000000e+00> : vector<1xf32>
    %reduce_sum3A_51 = vector.multi_reduction <add>, %reduce_sum3A_49, %reduce_sum3A_50 [1, 2] : vector<1x1x512xf32> to vector<1xf32>
    %reduce_sum3A_52 = vector.shape_cast %reduce_sum3A_51 : vector<1xf32> to vector<1x1x1xf32>
    %reduce_sum3A_53 = vector.extract %reduce_sum3A_52[0, 0, 0] : f32 from vector<1x1x1xf32>
    %get3A_54 = arith.constant 1 : index
    %get3A_55 = arith.constant 0 : index
    %get3A_56 = vector.load %arg7[%get3A_54, %get3A_55] : memref<8x128xf32, #tpu.memory_space<vmem>>, vector<1x128xf32>
    %add3A_57 = vector.broadcast %reduce_sum3A_53 : f32 to vector<1x128xf32>
    %add3A_58 = arith.addf %get3A_56, %add3A_57 : vector<1x128xf32>
    %swap3A_59 = arith.constant 1 : index
    %swap3A_60 = arith.constant 0 : index
    %swap3A_61 = vector.load %arg7[%swap3A_59, %swap3A_60] : memref<8x128xf32, #tpu.memory_space<vmem>>, vector<1x128xf32>
    tpu.vector_store %arg7[%swap3A_59, %swap3A_60], %add3A_58 {strides = array<i32>} : memref<8x128xf32, #tpu.memory_space<vmem>>, vector<1x128xf32>,
    %get3A_62 = arith.constant 0 : index
    %get3A_63 = arith.constant 0 : index
    %get3A_64 = vector.load %arg3[%get3A_62, %get3A_63] : memref<2000x128xf32, #tpu.memory_space<vmem>>, vector<2000x128xf32>
    %get3A_65 = arith.constant 0 : index
    %get3A_66 = arith.constant 0 : index
    %get3A_67 = vector.load %arg4[%get3A_65, %get3A_66] : memref<128x512xf32, #tpu.memory_space<vmem>>, vector<128x512xf32>
    %dot_general3A_68 = arith.constant dense<0.000000e+00> : vector<2000x512xf32>
    %dot_general3A_69 = tpu.matmul %get3A_64, %get3A_67, %dot_general3A_68 {dimension_numbers = #tpu.dot_dimension_numbers<[1], [0], [0], [1], [0, 0, 1, 1], [], []>, transpose_lhs_hint = false} : vector<2000x128xf32>, vector<128x512xf32>, vector<2000x512xf32> -> vector<2000x512xf32>
    %get3A_70 = arith.constant 0 : index
    %get3A_71 = arith.constant 0 : index
    %get3A_72 = vector.load %arg5[%get3A_70, %get3A_71] : memref<1x512xf32, #tpu.memory_space<vmem>>, vector<1x512xf32>
    %add3A_73 = vector.broadcast %get3A_72 : vector<1x512xf32> to vector<2000x512xf32>
    %add3A_74 = arith.addf %dot_general3A_69, %add3A_73 : vector<2000x512xf32>
    %tanh3A_75 = math.tanh %add3A_74 : vector<2000x512xf32>
    %reduce_sum3A_76 = arith.constant dense<0.000000e+00> : vector<512xf32>
    %reduce_sum3A_77 = vector.multi_reduction <add>, %tanh3A_75, %reduce_sum3A_76 [0] : vector<2000x512xf32> to vector<512xf32>
    %broadcast_in_dim3A_78 = vector.shape_cast %reduce_sum3A_77 : vector<512xf32> to vector<1x512xf32>
    %get3A_79 = arith.constant 0 : index
    %get3A_80 = arith.constant 0 : index
    %get3A_81 = vector.load %arg6[%get3A_79, %get3A_80] : memref<1x512xf32, #tpu.memory_space<vmem>>, vector<1x512xf32>
    %mul3A_82 = arith.mulf %broadcast_in_dim3A_78, %get3A_81 : vector<1x512xf32>
    %reduce_sum3A_83 = vector.shape_cast %mul3A_82 : vector<1x512xf32> to vector<1x1x512xf32>
    %reduce_sum3A_84 = arith.constant dense<0.000000e+00> : vector<1xf32>
    %reduce_sum3A_85 = vector.multi_reduction <add>, %reduce_sum3A_83, %reduce_sum3A_84 [1, 2] : vector<1x1x512xf32> to vector<1xf32>
    %reduce_sum3A_86 = vector.shape_cast %reduce_sum3A_85 : vector<1xf32> to vector<1x1x1xf32>
    %reduce_sum3A_87 = vector.extract %reduce_sum3A_86[0, 0, 0] : f32 from vector<1x1x1xf32>
    %get3A_88 = arith.constant 2 : index
    %get3A_89 = arith.constant 0 : index
    %get3A_90 = vector.load %arg7[%get3A_88, %get3A_89] : memref<8x128xf32, #tpu.memory_space<vmem>>, vector<1x128xf32>
    %add3A_91 = vector.broadcast %reduce_sum3A_87 : f32 to vector<1x128xf32>
    %add3A_92 = arith.addf %get3A_90, %add3A_91 : vector<1x128xf32>
    %swap3A_93 = arith.constant 2 : index
    %swap3A_94 = arith.constant 0 : index
    %swap3A_95 = vector.load %arg7[%swap3A_93, %swap3A_94] : memref<8x128xf32, #tpu.memory_space<vmem>>, vector<1x128xf32>
    tpu.vector_store %arg7[%swap3A_93, %swap3A_94], %add3A_92 {strides = array<i32>} : memref<8x128xf32, #tpu.memory_space<vmem>>, vector<1x128xf32>,
    return
  }
  func.func @transform_0(%arg0: i32) -> (i32, i32) {
    %c0_i32 = arith.constant 0 : i32
    %c0_i32_0 = arith.constant 0 : i32
    return %arg0, %c0_i32 : i32, i32
  }
  func.func @transform_1(%arg0: i32) -> (i32, i32) {
    %c0_i32 = arith.constant 0 : i32
    %c0_i32_0 = arith.constant 0 : i32
    return %arg0, %c0_i32 : i32, i32
  }
  func.func @transform_2(%arg0: i32) -> (i32, i32) {
    %c0_i32 = arith.constant 0 : i32
    %c0_i32_0 = arith.constant 0 : i32
    return %arg0, %c0_i32 : i32, i32
  }
  func.func @transform_3(%arg0: i32) -> (i32, i32) {
    %c0_i32 = arith.constant 0 : i32
    %c0_i32_0 = arith.constant 0 : i32
    %c0_i32_1 = arith.constant 0 : i32
    return %c0_i32, %c0_i32_0 : i32, i32
  }
  func.func @transform_4(%arg0: i32) -> (i32, i32) {
    %c0_i32 = arith.constant 0 : i32
    %c0_i32_0 = arith.constant 0 : i32
    %c0_i32_1 = arith.constant 0 : i32
    return %c0_i32, %c0_i32_0 : i32, i32
  }
  func.func @transform_5(%arg0: i32) -> (i32, i32) {
    %c0_i32 = arith.constant 0 : i32
    %c0_i32_0 = arith.constant 0 : i32
    %c0_i32_1 = arith.constant 0 : i32
    return %c0_i32, %c0_i32_0 : i32, i32
  }
  func.func @transform_6(%arg0: i32) -> (i32, i32) {
    %c0_i32 = arith.constant 0 : i32
    %c0_i32_0 = arith.constant 0 : i32
    %c0_i32_1 = arith.constant 0 : i32
    return %c0_i32, %c0_i32_0 : i32, i32
  }
}

module attributes {stable_mosaic.version = 14 : i64} {
  func.func @_fuse_body(%arg0: i32, %arg1: memref<2000x128xf32, #tpu.memory_space<vmem>>, %arg2: memref<2000x128xf32, #tpu.memory_space<vmem>>, %arg3: memref<2000x128xf32, #tpu.memory_space<vmem>>, %arg4: memref<8x128xf32, #tpu.memory_space<vmem>>, %arg5: memref<2000x128xf32, #tpu.memory_space<vmem>>) attributes {dimension_semantics = [#tpu.dimension_semantics<arbitrary>], iteration_bounds = array<i64: 25>, scalar_prefetch = 0 : i64, scratch_operands = 0 : i64, tpu.core_type = #tpu.core_type<tc>, window_params = [{transform_indices = @transform_0, window_bounds = array<i64: 2000, 128>}, {transform_indices = @transform_1, window_bounds = array<i64: 2000, 128>}, {transform_indices = @transform_2, window_bounds = array<i64: 2000, 128>}, {pipeline_mode = #tpu.pipeline_mode<synchronous>, transform_indices = @transform_3, window_bounds = array<i64: 8, 128>}, {transform_indices = @transform_4, window_bounds = array<i64: 2000, 128>}]} {
    %get3A = arith.constant 0 : index
    %get3A_0 = arith.constant 0 : index
    %get3A_1 = vector.load %arg4[%get3A, %get3A_0] : memref<8x128xf32, #tpu.memory_space<vmem>>, vector<3x128xf32>
    %mul3A = arith.constant 2.000000e-05 : f32
    %mul3A_2 = vector.broadcast %mul3A : f32 to vector<3x128xf32>
    %mul3A_3 = arith.mulf %get3A_1, %mul3A_2 : vector<3x128xf32>
    %reduce_max3A = arith.constant dense<0xFF800000> : vector<128xf32>
    %reduce_max3A_4 = vector.multi_reduction <maximumf>, %mul3A_3, %reduce_max3A [0] : vector<3x128xf32> to vector<128xf32>
    %broadcast_in_dim3A = vector.shape_cast %reduce_max3A_4 : vector<128xf32> to vector<1x128xf32>
    %sub3A = vector.broadcast %broadcast_in_dim3A : vector<1x128xf32> to vector<3x128xf32>
    %sub3A_5 = arith.subf %mul3A_3, %sub3A : vector<3x128xf32>
    %exp3A = math.exp %sub3A_5 : vector<3x128xf32>
    %reduce_sum3A = arith.constant dense<0.000000e+00> : vector<128xf32>
    %reduce_sum3A_6 = vector.multi_reduction <add>, %exp3A, %reduce_sum3A [0] : vector<3x128xf32> to vector<128xf32>
    %broadcast_in_dim3A_7 = vector.shape_cast %reduce_sum3A_6 : vector<128xf32> to vector<1x128xf32>
    %div3A = vector.broadcast %broadcast_in_dim3A_7 : vector<1x128xf32> to vector<3x128xf32>
    %div3A_8 = arith.divf %exp3A, %div3A : vector<3x128xf32>
    %slice3A = vector.extract_strided_slice %div3A_8 {offsets = [0, 0], sizes = [1, 1], strides = [1, 1]} : vector<3x128xf32> to vector<1x1xf32>
    %get3A_9 = arith.constant 0 : index
    %get3A_10 = arith.constant 0 : index
    %get3A_11 = vector.load %arg1[%get3A_9, %get3A_10] : memref<2000x128xf32, #tpu.memory_space<vmem>>, vector<2000x128xf32>
    %mul3A_12 = vector.broadcast %slice3A : vector<1x1xf32> to vector<2000x128xf32>
    %mul3A_13 = arith.mulf %mul3A_12, %get3A_11 : vector<2000x128xf32>
    %slice3A_14 = vector.extract_strided_slice %div3A_8 {offsets = [1, 0], sizes = [1, 1], strides = [1, 1]} : vector<3x128xf32> to vector<1x1xf32>
    %get3A_15 = arith.constant 0 : index
    %get3A_16 = arith.constant 0 : index
    %get3A_17 = vector.load %arg2[%get3A_15, %get3A_16] : memref<2000x128xf32, #tpu.memory_space<vmem>>, vector<2000x128xf32>
    %mul3A_18 = vector.broadcast %slice3A_14 : vector<1x1xf32> to vector<2000x128xf32>
    %mul3A_19 = arith.mulf %mul3A_18, %get3A_17 : vector<2000x128xf32>
    %add3A = arith.addf %mul3A_13, %mul3A_19 : vector<2000x128xf32>
    %slice3A_20 = vector.extract_strided_slice %div3A_8 {offsets = [2, 0], sizes = [1, 1], strides = [1, 1]} : vector<3x128xf32> to vector<1x1xf32>
    %get3A_21 = arith.constant 0 : index
    %get3A_22 = arith.constant 0 : index
    %get3A_23 = vector.load %arg3[%get3A_21, %get3A_22] : memref<2000x128xf32, #tpu.memory_space<vmem>>, vector<2000x128xf32>
    %mul3A_24 = vector.broadcast %slice3A_20 : vector<1x1xf32> to vector<2000x128xf32>
    %mul3A_25 = arith.mulf %mul3A_24, %get3A_23 : vector<2000x128xf32>
    %add3A_26 = arith.addf %add3A, %mul3A_25 : vector<2000x128xf32>
    %gt3A = arith.constant 0.000000e+00 : f32
    %gt3A_27 = vector.broadcast %gt3A : f32 to vector<2000x128xf32>
    %gt3A_28 = arith.cmpf ogt, %add3A_26, %gt3A_27 : vector<2000x128xf32>
    %mul3A_29 = arith.constant 2.000000e-01 : f32
    %mul3A_30 = vector.broadcast %mul3A_29 : f32 to vector<2000x128xf32>
    %mul3A_31 = arith.mulf %mul3A_30, %add3A_26 : vector<2000x128xf32>
    %select_n3A = arith.select %gt3A_28, %add3A_26, %mul3A_31 : vector<2000x128xi1>, vector<2000x128xf32>
    %swap3A = arith.constant 0 : index
    %swap3A_32 = arith.constant 0 : index
    %swap3A_33 = vector.load %arg5[%swap3A, %swap3A_32] : memref<2000x128xf32, #tpu.memory_space<vmem>>, vector<2000x128xf32>
    tpu.vector_store %arg5[%swap3A, %swap3A_32], %select_n3A {strides = array<i32>} : memref<2000x128xf32, #tpu.memory_space<vmem>>, vector<2000x128xf32>,
    return
  }
  func.func @transform_0(%arg0: i32) -> (i32, i32) {
    %c0_i32 = arith.constant 0 : i32
    %c0_i32_0 = arith.constant 0 : i32
    return %arg0, %c0_i32 : i32, i32
  }
  func.func @transform_1(%arg0: i32) -> (i32, i32) {
    %c0_i32 = arith.constant 0 : i32
    %c0_i32_0 = arith.constant 0 : i32
    return %arg0, %c0_i32 : i32, i32
  }
  func.func @transform_2(%arg0: i32) -> (i32, i32) {
    %c0_i32 = arith.constant 0 : i32
    %c0_i32_0 = arith.constant 0 : i32
    return %arg0, %c0_i32 : i32, i32
  }
  func.func @transform_3(%arg0: i32) -> (i32, i32) {
    %c0_i32 = arith.constant 0 : i32
    %c0_i32_0 = arith.constant 0 : i32
    %c0_i32_1 = arith.constant 0 : i32
    return %c0_i32, %c0_i32_0 : i32, i32
  }
  func.func @transform_4(%arg0: i32) -> (i32, i32) {
    %c0_i32 = arith.constant 0 : i32
    %c0_i32_0 = arith.constant 0 : i32
    return %arg0, %c0_i32 : i32, i32
  }
}

</mosaic_0001>

<sc_bundles>
// kernel: kernel.6.cloned.1.call-start
scs
__scs_entry_jumppad:
0x0: {  	(pc) =	sbr.rel $0x88, $3  }
0x1: {  	(tag) =	ssettag $0x0;
	lr =	simm.s32 $0x1  }
0x2: {  	[smem:$0x3F98] =	sst lr;
	_ =	strace $0xD0000000  }
0x3: {  	_ = 	snop  }
0x4: {  	_ = 	snop  }
0x5: {  	_ = 	snop  }
0x6: {  	_ = 	snop  }
0x7: {  	_ = 	snop  }
__scs_overlays_trampoline_lowered:
0x8: {  	[smem:$0x3FA7] =	sst s0  }
0x9: {  	[smem:$0x3FA8] =	sst s1  }
0xa: {  	[smem:$0x3FA9] =	sst s2  }
0xb: {  	[smem:$0x3FAA] =	sst s3  }
0xc: {  	[smem:$0x3FAB] =	sst s4  }
0xd: {  	[smem:$0x3FAC] =	sst s5  }
0xe: {  	[smem:$0x3FAD] =	sst s6  }
0xf: {  	[smem:$0x3FAE] =	sst s7  }
0x10: {  	[smem:$0x3FAF] =	sst s8  }
0x11: {  	[smem:$0x3FB0] =	sst s9;
	s0 =	simm.s32 @!p0 $0x0  }
0x12: {  	s1 =	sld [smem:$0x3F96];
	s0 =	simm.s32 @p0 $0x1  }
0x13: {  	[smem:$0x3FB1] =	sst s0;
	s0 =	simm.s32 @!p1 $0x0  }
0x14: {  	s2 =	sld [smem:$0x3F95];
	s0 =	simm.s32 @p1 $0x1  }
0x15: {  	[smem:$0x3FB2] =	sst s0;
	s0 =	simm.s32 @!p2 $0x0  }
0x16: {  	s3 =	sld [smem:$0x3FDB];
	s0 =	simm.s32 @p2 $0x1  }
0x17: {  	s4 =	simm.s32 $0x1BF5;
	[smem:$0x3FB4] =	sst s0  }
0x18: {  	s0 =	sld [smem:$0x3F97];
	_ =	swait.ge [sflag:s4], $0x0  }
0x19: {  	s7 =	sld [smem:$0x3F98]  }
0x1a: {  	s8 =	sadd.s32 $0xFFFFE003, lr  }
0x1b: {  	s9 =	sadd.s32 $0xFFFFFEF7, lr;
	s5 =	simm.s32 $0xFFFFFFFF;
	p2 =	slt.u32 s8, $0xFFFFF086  }
0x1c: {  	p1 =	slt.u32 s9, $0xF7A;
	s5 =	simm.s32 @!p2 $0x0  }
0x1d: {  	s5 =	simm.s32 @p1 $0x1;
	p0 =	seq.s32 s7, s2  }
0x1e: {  	s7 =	smul.u32 @!p0 $0xF7A, s2;
	p2 =	seq.s32 @!p0 s5, $0x0  }
0x1f: {  	s9 =	smul.u32 $0xF7A, s1;
	s8 =	simm.s32 @!p0 $0x1BF5;
	p2 =	por !p2, p0  }
0x20: {  	[sflag:s8] =	ssyncset.s32 @!p0 $0xFFFFF086;
	s6 =	sadd.s32 @!p0 s3, s7;
	s7 =	simm.s32 @!p0 $0x108  }
0x21: {  	s3 =	sadd.s32 s3, s9;
	s6 =	sadd.s32 @!p0 $0x88, s6;
	s7 =	simm.s32 @p2 $0x1082  }
0x22: {  	[simem:s7], [sflag:s8] =	dma.local @!p0 [hbm:s6], $0xF7A  }
0x23: {  	s9 =	sor.u32 $0xD0000000, s2;
	s6 =	simm.s32 $0x108;
	_ =	swait.ge @!p0 [sflag:s8], $0x0  }
0x24: {  	s3 =	sadd.s32 $0x88, s3;
	s6 =	simm.s32 @!p1 $0x1082;
	[sflag:s4] =	ssyncset.s32 $0xFFFFF086  }
0x25: {  	[simem:s6], [sflag:s4] =	dma.local [hbm:s3], $0xF7A  }
0x26: {  	[smem:$0x3F98] =	sst s1;
	(tag) =	ssettag s2;
	_ =	strace s9  }
0x27: {  	s1 =	sld [smem:$0x3FA8]  }
0x28: {  	s2 =	sld [smem:$0x3FA9]  }
0x29: {  	s4 =	sld [smem:$0x3FAB]  }
0x2a: {  	p0 =	seq.s32 s5, $0x0;
	s5 =	sld [smem:$0x3FAC]  }
0x2b: {  	s6 =	sld [smem:$0x3FAD]  }
0x2c: {  	s7 =	sld [smem:$0x3FAE]  }
0x2d: {  	s3 =	simm.s32 $0x108;
	s8 =	sld [smem:$0x3FAF]  }
0x2e: {  	s3 =	simm.s32 @!p0 $0x1082;
	s9 =	sld [smem:$0x3FB0]  }
0x2f: {  	lr =	sadd.s32 s0, s3;
	s0 =	sld [smem:$0x3FA7]  }
0x30: {  	s3 =	sld [smem:$0x3FAA]  }
0x31: {  	[smem:$0x3FB3] =	sst s10  }
0x32: {  	s10 =	sld [smem:$0x3FB1];
	_ =	sdelay $0x3  }
0x33: {  	p0 =	seq.s32 s10, $0x1;
	s10 =	sld [smem:$0x3FB3];
	_ =	sdelay $0x3  }
0x34: {  	[smem:$0x3FB3] =	sst s10  }
0x35: {  	s10 =	sld [smem:$0x3FB2];
	_ =	sdelay $0x3  }
0x36: {  	p1 =	seq.s32 s10, $0x1;
	s10 =	sld [smem:$0x3FB3];
	_ =	sdelay $0x3  }
0x37: {  	[smem:$0x3FB3] =	sst s10  }
0x38: {  	s10 =	sld [smem:$0x3FB4]  }
0x39: {  	_ = 	snop;
	(pc) =	sbr.ind lr, $3  }
0x3a: {  	_ = 	snop  }
0x3b: {  	_ = 	snop  }
0x3c: {  	p2 =	seq.s32 s10, $0x1;
	s10 =	sld [smem:$0x3FB3]  }
0x3d: {  	_ =	shalt  }
0x3e: {  	_ =	shalt  }
0x3f: {  	_ =	shalt  }
0x40: {  	_ =	shalt  }
0x41: {  	_ =	shalt  }
0x42: {  	_ =	shalt  }
0x43: {  	_ =	shalt  }
0x44: {  	_ =	shalt  }
0x45: {  	_ =	shalt  }
0x46: {  	_ =	shalt  }
0x47: {  	_ =	shalt  }
0x48: {  	_ =	shalt  }
0x49: {  	_ =	shalt  }
0x4a: {  	_ =	shalt  }
0x4b: {  	_ =	shalt  }
0x4c: {  	_ =	shalt  }
0x4d: {  	_ =	shalt  }
0x4e: {  	_ =	shalt  }
0x4f: {  	_ =	shalt  }
0x50: {  	_ =	shalt  }
0x51: {  	_ =	shalt  }
0x52: {  	_ =	shalt  }
0x53: {  	_ =	shalt  }
0x54: {  	_ =	shalt  }
0x55: {  	_ =	shalt  }
0x56: {  	_ =	shalt  }
0x57: {  	_ =	shalt  }
0x58: {  	_ =	shalt  }
0x59: {  	_ =	shalt  }
0x5a: {  	_ =	shalt  }
0x5b: {  	_ =	shalt  }
0x5c: {  	_ =	shalt  }
0x5d: {  	_ =	shalt  }
0x5e: {  	_ =	shalt  }
0x5f: {  	_ =	shalt  }
0x60: {  	_ =	shalt  }
0x61: {  	_ =	shalt  }
0x62: {  	_ =	shalt  }
0x63: {  	_ =	shalt  }
0x64: {  	_ =	shalt  }
0x65: {  	_ =	shalt  }
0x66: {  	_ =	shalt  }
0x67: {  	_ =	shalt  }
0x68: {  	_ =	shalt  }
0x69: {  	_ =	shalt  }
0x6a: {  	_ =	shalt  }
0x6b: {  	_ =	shalt  }
0x6c: {  	_ =	shalt  }
0x6d: {  	_ =	shalt  }
0x6e: {  	_ =	shalt  }
0x6f: {  	_ =	shalt  }
0x70: {  	_ =	shalt  }
0x71: {  	_ =	shalt  }
0x72: {  	_ =	shalt  }
0x73: {  	_ =	shalt  }
0x74: {  	_ =	shalt  }
0x75: {  	_ =	shalt  }
0x76: {  	_ =	shalt  }
0x77: {  	_ =	shalt  }
0x78: {  	_ =	shalt  }
0x79: {  	_ =	shalt  }
0x7a: {  	_ =	shalt  }
0x7b: {  	_ =	shalt  }
0x7c: {  	_ =	shalt  }
0x7d: {  	_ =	shalt  }
0x7e: {  	_ =	shalt  }
0x7f: {  	_ =	shalt  }
0x80: {  	_ =	shalt  }
0x81: {  	_ =	shalt  }
0x82: {  	_ =	shalt  }
0x83: {  	_ =	shalt  }
0x84: {  	_ =	shalt  }
0x85: {  	_ =	shalt  }
0x86: {  	_ =	shalt  }
0x87: {  	_ =	shalt  }
.Lfunc_end0:
.L_simem_size_0:
called_computation_lowered:
.L_overlay_start_0:
0x88: {  	s2 =	sld [smem:$0x3FD9]  }
0x89: {  	s3 =	sld [smem:$0x3FFE];
	_ =	sdelay $0x1  }
0x8a: {  	s1 =	srdreg.scid  }
0x8b: {  	s0 =	sand.u32 $0x1, s1  }
0x8c: {  	s17 =	sshll.u32 s0, $0xA;
	s2 =	sadd.s32 s3, s2  }
0x8d: {  	s2 =	sadd.s32 s2, s17  }
0x8e: {  	[smem:$0x3FBF] =	sst s2  }
0x8f: {  	_ = 	snop  }
0x90: {  	s2 =	sld [smem:$0x3FD0];
	(tm) =	ssettm $0x1  }
0x91: {  	s18 =	sld [smem:$0x3FFB];
	_ =	sdelay $0x3  }
0x92: {  	_ =	strace s18  }
0x93: {  	s3 =	sld [smem:$0x3FFC];
	_ =	sdelay $0x3  }
0x94: {  	_ =	strace s3  }
0x95: {  	s3 =	sld [smem:$0x3FFD];
	_ =	sdelay $0x3  }
0x96: {  	_ =	strace s3  }
0x97: {  	_ =	strace $0x8FFFFFFF  }
0x98: {  	s19 =	sld [smem:$0x3FDB];
	_ =	sdelay $0x1  }
0x99: {  	s4 =	simm.s32 $_scs_section_size  }
0x9a: {  	s5 =	simm.s32 $_size__tile_overlayer_lowered;
	s6 =	simm.s32 $_tile_overlayer_lowered  }
0x9b: {  	s22 =	simm.s32 $0x1BFF;
	s21 =	sshll.u32 s6, $0x1;
	s3 =	sadd.s32 s4, s19  }
0x9c: {  	s7 =	simm.s32 $0x0;
	s20 =	sshll.u32 s5, $0x1;
	s5 =	sadd.s32 s21, s3  }
0x9d: {  	[timem:s7], [sflag:s22] =	dma.local [hbm:s5], s20  }
0x9e: {  	_ =	swait.ge [sflag:s22], s20  }
0x9f: {  	s4 =	ssub.s32 $0x0, s20;
	[sflag:s22] =	ssyncset.done $0x0  }
0xa0: {  	[sflag:s22] =	ssyncadd.s32 s4;
	_ =	sdelay $0x1  }
0xa1: {  	s23 =	simm.s32 $0x1B8B  }
0xa2: {  	_ =	swait.ge [sflag:s23], $0x1  }
0xa3: {  	[sflag:s23] =	ssyncset.done $0x0  }
0xa4: {  	s25 =	simm.s32 $0x1B8E;
	s24 =	sld [smem:$0x3FFE];
	[sflag:s23] =	ssyncadd.s32 $0xFFFFFFFF  }
0xa5: {  	s26 =	simm.s32 $execute0_lowered;
	[smem:$0x3FD2] =	sst s25  }
0xa6: {  	s5 =	sshll.u32 s26, $0x1;
	_ =	strace $0x80000046;
	[dreg:$0x1] =	wrdreg $0xFFFFFFFF  }
0xa7: {  	s28 =	simm.s32 $_size_execute0_lowered;
	s3 =	sadd.s32 s3, s5;
	[dreg:$0x0] =	wrdreg $0x0  }
0xa8: {  	s5 =	sshll.u32 s28, $0x1;
	[dreg:$0x2] =	wrdreg s3  }
0xa9: {  	[dreg:$0x3] =	wrdreg s5  }
0xaa: {  	[dreg:$0x4] =	wrdreg $0xC0  }
0xab: {  	_ =	task [dreg:s7], $0x5FFFF  }
0xac: {  	[dreg:$0x1] =	wrdreg $0xFFFFFFFF  }
0xad: {  	[dreg:$0x0] =	wrdreg $0x60  }
0xae: {  	[dreg:$0x2] =	wrdreg s2  }
0xaf: {  	[dreg:$0x3] =	wrdreg s24  }
0xb0: {  	[dreg:$0x4] =	wrdreg $0x0  }
0xb1: {  	[dreg:$0x5] =	wrdreg $0xC4000  }
0xb2: {  	[dreg:$0x6] =	wrdreg $0x9  }
0xb3: {  	_ =	task.clear_ibuf [dreg:s7], $0x7FFFF;
	_ =	strace $0x90000046  }
0xb4: {  	s29 =	simm.s32 $0x9;
	_ =	strace $0x80000048  }
0xb5: {  	_ =	swait.ge [sflag:s29], $0x1  }
0xb6: {  	[sflag:s29] =	ssyncadd.s32 $0xFFFFFFFF  }
0xb7: {  	_ =	strace $0x90000048  }
0xb8: {  	_ =	sfence  }
0xb9: {  	s30 =	sld [smem:$0x0];
	_ =	sdelay $0x2  }
0xba: {  	s31 =	sshll.u32 s1, $0xD;
	s1 =	sshrl.u32 s1, $0x2  }
0xbb: {  	s3 =	sand.u32 $0x4000, s31;
	s1 =	sadd.s32 s1, s30  }
0xbc: {  	s0 =	sor.u32 s3, s0;
	s1 =	sshll.u32 s1, $0x11  }
0xbd: {  	s0 =	sor.u32 s1, s0  }
0xbe: {  	s0 =	sadd.s32 $0x8F2B, s0  }
0xbf: {  	[sflag:s0] =	ssyncadd.remote.s32 $0x1  }
0xc0: {  	_ =	sfence.sel $0xFFFF  }
0xc1: {  	[dreg:$0x0] =	wrdreg $0xFFFFFFFF;
	(pc) =	sbr.abs _section_cstart, $3  }
0xc2: {  	[dreg:$0x1] =	wrdreg $0xFFFFFFFF  }
0xc3: {  	_ =	task.clear_ibuf [dreg:s7], $0x2FFFF;
	_ =	strace $0x9FFFFFFF  }
0xc4: {  	(tm) =	ssettm $0x7FFFFFFF  }
0xc5: {  	_ =	shalt  }
tec
execute0_lowered:
.L_overlay_start_1:
0x0: {  	(tag) =	ssettag $0x1  }
0x1: {  	s1 =	rddreg [dreg:$0x0]  }
0x2: {  	s6 =	rddreg [dreg:$0x1]  }
0x3: {  	s3 =	rddreg [dreg:$0x2]  }
0x4: {  	s4 =	rddreg [dreg:$0x3];
	s2 =	simm.s32 $0x0;
	s0 =	srdreg.scid  }
0x5: {  	s10 =	stileid.u32;
	s30 =	simm.s32 $0x1;
	[smem:$0x7FF] =	sst s2  }
0x6: {  	s0 =	sand.u32 $0x1, s0;
	s7 =	sadd.s32 $0x19000, s6;
	s13 =	smul.u32 $0xC400, s10  }
0x7: {  	s8 =	sadd.s32 $0x32000, s6;
	s9 =	sadd.s32 $0x4B000, s6;
	s28 =	smul.u32 $0x3200, s10  }
0x8: {  	s6 =	simm.s32 $0x200;
	s12 =	ssub.s32 $0x2, s0;
	s0 =	sshll.u32 s0, $0x2  }
0x9: {  	_ =	strace $0x80000047;
	s5 =	sshrl.u32 s12, $0x1;
	[dreg:$0x5] =	wrdreg s0  }
0xa: {  	s15 =	sadd.s32 s13, s3;
	s16 =	sadd.s32 s13, s4;
	s17 =	sadd.s32 $0x1C00, s13  }
0xb: {  	s19 =	sadd.s32 $0x3800, s13;
	s21 =	sadd.s32 $0x5400, s13;
	[dreg:$0x7] =	wrdreg s15  }
0xc: {  	s23 =	sadd.s32 $0x7000, s13;
	[dreg:$0x8] =	wrdreg s16;
	s18 =	sadd.s32 s17, s3  }
0xd: {  	s25 =	sadd.s32 $0x8C00, s13;
	s0 =	sadd.s32 s17, s4;
	[dreg:$0x9] =	wrdreg s18  }
0xe: {  	s29 =	sadd.s32 $0xA800, s13;
	s20 =	sadd.s32 s19, s3;
	[dreg:$0xa] =	wrdreg s0  }
0xf: {  	s13 =	simm.s32 $0xFA80;
	s22 =	sadd.s32 s21, s3;
	[dreg:$0xb] =	wrdreg s20  }
0x10: {  	s2 =	ssub.s32 s12, s5;
	s24 =	sadd.s32 s23, s3;
	[dreg:$0xd] =	wrdreg s22  }
0x11: {  	s26 =	sadd.s32 s25, s3;
	s31 =	sadd.s32 s29, s3;
	[dreg:$0xf] =	wrdreg s24  }
0x12: {  	s15 =	simm.s32 $0x10F80;
	s16 =	simm.s32 $0x40;
	[dreg:$0x11] =	wrdreg s26  }
0x13: {  	s17 =	simm.s32 $0x11A00;
	s14 =	smax.u32 s2, $0x1;
	[dreg:$0x13] =	wrdreg s31  }
0x14: {  	s5 =	simm.s32 $0x0;
	s0 =	sadd.s32 s19, s4;
	[dreg:$0x6] =	wrdreg s14  }
0x15: {  	s26 =	smul.u32 $0x188, s10;
	[dreg:$0xc] =	wrdreg s0;
	s0 =	sadd.s32 s21, s4  }
0x16: {  	s18 =	simm.s32 $0x2;
	[dreg:$0xe] =	wrdreg s0;
	s0 =	sadd.s32 s23, s4  }
0x17: {  	s19 =	simm.s32 $0x13A00;
	[dreg:$0x10] =	wrdreg s0;
	s0 =	sadd.s32 s25, s4  }
0x18: {  	v0 =	vimm.f32 $0.0e+00;
	s20 =	simm.s32 $0x13A80;
	[dreg:$0x12] =	wrdreg s0;
	s0 =	sadd.s32 s29, s4  }
0x19: {  	v1 =	vimm.f32 $1.000000000e+00;
	v2 =	vimm.s32 $0x0;
	v3 =	vimm.s32 $0x186A;
	s14 =	simm.s32 $0x10500;
	[dreg:$0x14] =	wrdreg s0;
	s0 =	simm.s32 $0x80  }
.LBB2_1:
0x1a: {  	[dreg:$0x15] =	wrdreg s5;
	s2 =	simm.s32 $0x0;
	s5 =	simm.s32 $0x200  }
.LBB2_2:
0x1b: {  	p0 =	sne.s32 s5, $0x7E00;
	[tilespmem:s2+$0x19A80] =	vst v0  }
0x1c: {  	[tilespmem:s2+$0x15A80] =	vst v0  }
0x1d: {  	[tilespmem:s2+$0x15A90] =	vst v0  }
0x1e: {  	[tilespmem:s2+$0x15AA0] =	vst v0  }
0x1f: {  	[tilespmem:s2+$0x15AB0] =	vst v0  }
.Ltmp0:
0x20: {  	[tilespmem:s2+$0x15AC0] =	vst v0;
	(pc) =	sbr.rel @p0 .LBB2_2-.Ltmp0, $4  }
0x21: {  	[tilespmem:s2+$0x15AD0] =	vst v0  }
0x22: {  	[tilespmem:s2+$0x15AE0] =	vst v0  }
0x23: {  	[tilespmem:s2+$0x15AF0] =	vst v0  }
0x24: {  	[tilespmem:s2+$0x17A80] =	vst v1;
	s2 =	sshra.s32 s5, $0x2;
	s5 =	sadd.s32 $0x200, s5  }
0x25: {  	[tilespmem:s2+$0x19A80] =	vst v0  }
0x26: {  	[tilespmem:s2+$0x15A80] =	vst v0  }
0x27: {  	[tilespmem:s2+$0x15A90] =	vst v0  }
0x28: {  	[tilespmem:s2+$0x15AA0] =	vst v0  }
0x29: {  	[tilespmem:s2+$0x15AB0] =	vst v0  }
0x2a: {  	[tilespmem:s2+$0x15AC0] =	vst v0  }
0x2b: {  	[tilespmem:s2+$0x15AD0] =	vst v0  }
0x2c: {  	[tilespmem:s2+$0x15AE0] =	vst v0  }
0x2d: {  	[tilespmem:s2+$0x15AF0] =	vst v0  }
0x2e: {  	s5 =	simm.s32 $0x0;
	[tilespmem:s2+$0x17A80] =	vst v1  }
.LBB2_4:
0x2f: {  	s21 =	sshll.u32 s5, $0x7;
	s22 =	smul.u32 $0x620000, s5  }
0x30: {  	[dreg:$0x16] =	wrdreg s5;
	p0 =	seq.s32 s5, $0x2;
	s11 =	simm.s32 $0x0  }
.LBB2_5:
0x31: {  	s2 =	rddreg [dreg:$0x7];
	s5 =	simm.s32 $0x15A80  }
0x32: {  	[spmem:s2] =	stream.linear.scatter [tilespmem:s5], [sflag:$0x1], $0x1C00, $0x38;
	[tilespmem:$0x1BA80] =	vst v63  }
0x33: {  	_ =	swait.ge [sflag:s30], $0x1C00  }
0x34: {  	[sflag:s30] =	ssyncset.done $0x0  }
0x35: {  	s10 =	simm.s32 $0x19A80;
	s23 =	rddreg [dreg:$0x8];
	[sflag:s30] =	ssyncadd.s32 $0xFFFFE400  }
0x36: {  	[spmem:s23] =	stream.linear.scatter [tilespmem:s10], [sflag:$0x1], $0x1C00, $0x38;
	[tilespmem:$0x1BA80] =	vst v63  }
0x37: {  	_ =	swait.ge [sflag:s30], $0x1C00  }
0x38: {  	[sflag:s30] =	ssyncset.done $0x0  }
0x39: {  	s24 =	rddreg [dreg:$0x9];
	[sflag:s30] =	ssyncadd.s32 $0xFFFFE400  }
0x3a: {  	[spmem:s24] =	stream.linear.scatter [tilespmem:s5], [sflag:$0x1], $0x1C00, $0x38;
	[tilespmem:$0x1BA80] =	vst v63  }
0x3b: {  	_ =	swait.ge [sflag:s30], $0x1C00  }
0x3c: {  	[sflag:s30] =	ssyncset.done $0x0  }
0x3d: {  	s25 =	rddreg [dreg:$0xa];
	[sflag:s30] =	ssyncadd.s32 $0xFFFFE400  }
0x3e: {  	[spmem:s25] =	stream.linear.scatter [tilespmem:s10], [sflag:$0x1], $0x1C00, $0x38;
	[tilespmem:$0x1BA80] =	vst v63  }
0x3f: {  	_ =	swait.ge [sflag:s30], $0x1C00  }
0x40: {  	[sflag:s30] =	ssyncset.done $0x0  }
0x41: {  	s31 =	rddreg [dreg:$0xb];
	[sflag:s30] =	ssyncadd.s32 $0xFFFFE400  }
0x42: {  	[spmem:s31] =	stream.linear.scatter [tilespmem:s5], [sflag:$0x1], $0x1C00, $0x38;
	[tilespmem:$0x1BA80] =	vst v63  }
0x43: {  	_ =	swait.ge [sflag:s30], $0x1C00  }
0x44: {  	[sflag:s30] =	ssyncset.done $0x0  }
0x45: {  	s12 =	rddreg [dreg:$0xc];
	[sflag:s30] =	ssyncadd.s32 $0xFFFFE400  }
0x46: {  	[spmem:s12] =	stream.linear.scatter [tilespmem:s10], [sflag:$0x1], $0x1C00, $0x38;
	[tilespmem:$0x1BA80] =	vst v63  }
0x47: {  	_ =	swait.ge [sflag:s30], $0x1C00  }
0x48: {  	[sflag:s30] =	ssyncset.done $0x0  }
0x49: {  	s23 =	rddreg [dreg:$0xd];
	[sflag:s30] =	ssyncadd.s32 $0xFFFFE400  }
0x4a: {  	[spmem:s23] =	stream.linear.scatter [tilespmem:s5], [sflag:$0x1], $0x1C00, $0x38;
	[tilespmem:$0x1BA80] =	vst v63  }
0x4b: {  	_ =	swait.ge [sflag:s30], $0x1C00  }
0x4c: {  	[sflag:s30] =	ssyncset.done $0x0  }
0x4d: {  	s24 =	rddreg [dreg:$0xe];
	[sflag:s30] =	ssyncadd.s32 $0xFFFFE400  }
0x4e: {  	[spmem:s24] =	stream.linear.scatter [tilespmem:s10], [sflag:$0x1], $0x1C00, $0x38;
	[tilespmem:$0x1BA80] =	vst v63  }
0x4f: {  	_ =	swait.ge [sflag:s30], $0x1C00  }
0x50: {  	[sflag:s30] =	ssyncset.done $0x0  }
0x51: {  	s25 =	rddreg [dreg:$0xf];
	[sflag:s30] =	ssyncadd.s32 $0xFFFFE400  }
0x52: {  	[spmem:s25] =	stream.linear.scatter [tilespmem:s5], [sflag:$0x1], $0x1C00, $0x38;
	[tilespmem:$0x1BA80] =	vst v63  }
0x53: {  	_ =	swait.ge [sflag:s30], $0x1C00  }
0x54: {  	[sflag:s30] =	ssyncset.done $0x0  }
0x55: {  	s31 =	rddreg [dreg:$0x10];
	[sflag:s30] =	ssyncadd.s32 $0xFFFFE400  }
0x56: {  	[spmem:s31] =	stream.linear.scatter [tilespmem:s10], [sflag:$0x1], $0x1C00, $0x38;
	[tilespmem:$0x1BA80] =	vst v63  }
0x57: {  	_ =	swait.ge [sflag:s30], $0x1C00  }
0x58: {  	[sflag:s30] =	ssyncset.done $0x0  }
0x59: {  	s12 =	rddreg [dreg:$0x11];
	[sflag:s30] =	ssyncadd.s32 $0xFFFFE400  }
0x5a: {  	[spmem:s12] =	stream.linear.scatter [tilespmem:s5], [sflag:$0x1], $0x1C00, $0x38;
	[tilespmem:$0x1BA80] =	vst v63  }
0x5b: {  	_ =	swait.ge [sflag:s30], $0x1C00  }
0x5c: {  	[sflag:s30] =	ssyncset.done $0x0  }
0x5d: {  	s23 =	rddreg [dreg:$0x12];
	[sflag:s30] =	ssyncadd.s32 $0xFFFFE400  }
0x5e: {  	[spmem:s23] =	stream.linear.scatter [tilespmem:s10], [sflag:$0x1], $0x1C00, $0x38;
	[tilespmem:$0x1BA80] =	vst v63  }
0x5f: {  	_ =	swait.ge [sflag:s30], $0x1C00  }
0x60: {  	[sflag:s30] =	ssyncset.done $0x0  }
0x61: {  	s24 =	rddreg [dreg:$0x13];
	[sflag:s30] =	ssyncadd.s32 $0xFFFFE400  }
0x62: {  	[spmem:s24] =	stream.linear.scatter [tilespmem:s5], [sflag:$0x1], $0x1C00, $0x38;
	[tilespmem:$0x1BA80] =	vst v63  }
0x63: {  	_ =	swait.ge [sflag:s30], $0x1C00  }
0x64: {  	[sflag:s30] =	ssyncset.done $0x0  }
0x65: {  	s25 =	rddreg [dreg:$0x14];
	[sflag:s30] =	ssyncadd.s32 $0xFFFFE400  }
0x66: {  	[spmem:s25] =	stream.linear.scatter [tilespmem:s10], [sflag:$0x1], $0x1C00, $0x38;
	[tilespmem:$0x1BA80] =	vst v63  }
0x67: {  	_ =	swait.ge [sflag:s30], $0x1C00  }
.Ltmp1:
0x68: {  	s31 =	rddreg [dreg:$0x5];
	(pc) =	sbr.rel .LBB2_6-.Ltmp1, $4  }
0x69: {  	[dreg:$0x17] =	wrdreg s11;
	[sflag:s30] =	ssyncset.done $0x0;
	s2 =	sadd.s32 s31, s11  }
0x6a: {  	[sflag:s30] =	ssyncadd.s32 $0xFFFFE400;
	[dreg:$0x18] =	wrdreg s2;
	s2 =	smul.u32 $0xFFFFE796, s2  }
0x6b: {  	[bflag:$0x0] =	sbarrier.arrive $0xFFFF  }
0x6c: {  	s29 =	simm.s32 $0x0;
	s25 =	simm.s32 $0x0;
	v4 =	vmov s2  }
.LBB2_13:
0x6d: {  	s29 =	sadd.s32 $0x1, s29  }
0x6e: {  	p1 =	sne.s32 s29, $0x5  }
.Ltmp2:
0x6f: {  	_ = 	snop;
	(pc) =	sbr.rel @!p1 .LBB2_14-.Ltmp2, $1  }
0x70: {  	_ =	sdelay $0x3  }
.LBB2_6:
0x71: {  	s2 =	smul.u32 $0xA00, s29;
	_ =	sdelay $0x1  }
0x72: {  	s2 =	sadd.s32 s28, s2  }
0x73: {  	s2 =	sshll.u32 s2, $0x2  }
0x74: {  	s2 =	sadd.s32 s21, s2  }
0x75: {  	s2 =	sshrl.u32 s2, $0x3  }
0x76: {  	s10 =	simm.s32 $0xDC80;
	s5 =	sadd.s32 s7, s2  }
0x77: {  	[tilespmem:s10], [sflag:$0x1] =	stream.strided.gather [hbm4b:s5+s0], $0xA00, s6, s0, $0x38;
	[tilespmem:$0x1BA80] =	vst v63  }
0x78: {  	_ =	swait.ge [sflag:s30], $0xA00  }
0x79: {  	[sflag:s30] =	ssyncset.done $0x0  }
0x7a: {  	s12 =	simm.s32 $0xE680;
	s11 =	sadd.s32 s8, s2;
	[sflag:s30] =	ssyncadd.s32 $0xFFFFF600  }
0x7b: {  	[tilespmem:s12], [sflag:$0x1] =	stream.strided.gather [hbm4b:s11+s0], $0xA00, s6, s0, $0x38;
	[tilespmem:$0x1BA80] =	vst v63  }
0x7c: {  	_ =	swait.ge [sflag:s30], $0xA00  }
0x7d: {  	[sflag:s30] =	ssyncset.done $0x0  }
0x7e: {  	[sflag:s30] =	ssyncadd.s32 $0xFFFFF600  }
0x7f: {  	s23 =	rddreg [dreg:$0x1]  }
0x80: {  	s24 =	simm.s32 $0xF080;
	s2 =	sadd.s32 s23, s2  }
0x81: {  	[tilespmem:s24], [sflag:$0x1] =	stream.strided.gather [hbm4b:s2+s0], $0xA00, s6, s0, $0x38;
	[tilespmem:$0x1BA80] =	vst v63  }
0x82: {  	_ =	swait.ge [sflag:s30], $0xA00  }
0x83: {  	[sflag:s30] =	ssyncset.done $0x0  }
0x84: {  	s31 =	simm.s32 $0x0;
	[sflag:s30] =	ssyncadd.s32 $0xFFFFF600  }
0x85: {  	v5 =	vld [tilespmem:s31+$0xE680];
	_ =	sdelay $0x4  }
0x86: {  	v5 =	vadd.s32 v4, v5  }
0x87: {  	vm0 =	vlt.u32 v5, $0x186A  }
0x88: {  	v6 =	vsel vm0, $0x1, v2  }
0x89: {  	(xrf0) =	vadd.scan.msk.s32 $0xffff, v6;
	_ =	sdelay $0x2  }
0x8a: {  	v6 =	vmov s25  }
0x8b: {  	v6 =	vadd.s32 $0xFFFFFFFF, v6  }
0x8c: {  	v6 =	vbroadcast v6, $0x0  }
0x8d: {  	v7, _, _ =	vpop (xrf0)  }
0x8e: {  	v8 =	vld [tilespmem:s31+$0xDC80];
	v6 =	vadd.s32 v7, v6;
	(v2sf) =	vpush v7, $0xF;
	_ =	sdelay $0x1  }
0x8f: {  	v9 =	vld [tilespmem:s31+$0xF080];
	_ =	sdelay $0x2  }
0x90: {  	[tilespmem:v6+s13+$0x0] =	vst.idx.msk vm0, v8  }
0x91: {  	[tilespmem:v6+s14+$0x0] =	vst.idx.msk vm0, v5  }
0x92: {  	s5 =	simm.s32 $0x80;
	s11 =	simm.s32 $0x10;
	s2 =	simm.s32 $0x0;
	[tilespmem:v6+s15+$0x0] =	vst.idx.msk vm0, v9  }
.LBB2_7:
0x93: {  	p1 =	sne.s32 s5, $0x27C0;
	v5 =	vld [tilespmem:s11+$0xE680]  }
0x94: {  	v6 =	vld [tilespmem:s11+$0xDC80]  }
0x95: {  	v7 =	vld [tilespmem:s11+$0xF080];
	_ =	sdelay $0x2  }
0x96: {  	v5 =	vadd.s32 v4, v5  }
0x97: {  	vm0 =	vlt.u32 v5, $0x186A  }
0x98: {  	v8 =	vsel vm0, $0x1, v2;
	s11 =	spop (v2sf)  }
0x99: {  	(xrf0) =	vadd.scan.msk.s32 $0xffff, v8;
	s2 =	sadd.s32 s2, s11  }
0x9a: {  	v8 =	vmov s2  }
0x9b: {  	v8 =	vadd.s32 $0xFFFFFFFF, v8  }
0x9c: {  	v8 =	vbroadcast v8, $0x0;
	_ =	sdelay $0x2  }
0x9d: {  	v9, _, _ =	vpop (xrf0)  }
0x9e: {  	v8 =	vadd.s32 v9, v8;
	(v2sf) =	vpush v9, $0xF;
	_ =	sdelay $0x2  }
.Ltmp3:
0x9f: {  	(pc) =	sbr.rel @p1 .LBB2_7-.Ltmp3, $4  }
0xa0: {  	_ = 	snop  }
0xa1: {  	[tilespmem:v8+s13+$0x0] =	vst.idx.msk vm0, v6  }
0xa2: {  	[tilespmem:v8+s14+$0x0] =	vst.idx.msk vm0, v5  }
0xa3: {  	s11 =	sshra.s32 s5, $0x2;
	s5 =	sadd.s32 $0x40, s5;
	[tilespmem:v8+s15+$0x0] =	vst.idx.msk vm0, v7  }
0xa4: {  	v5 =	vld [tilespmem:s11+$0xE680];
	_ =	sdelay $0x4  }
0xa5: {  	v5 =	vadd.s32 v4, v5  }
0xa6: {  	vm0 =	vlt.u32 v5, $0x186A  }
0xa7: {  	v6 =	vsel vm0, $0x1, v2  }
0xa8: {  	(xrf0) =	vadd.scan.msk.s32 $0xffff, v6;
	_ =	sdelay $0x5  }
0xa9: {  	v6, _, _ =	vpop (xrf0)  }
0xaa: {  	(v2sf) =	vpush v6, $0xF;
	_ =	sdelay $0x3  }
0xab: {  	s5 =	spop (v2sf)  }
0xac: {  	s2 =	sadd.s32 s2, s5  }
0xad: {  	v7 =	vmov s2  }
0xae: {  	v7 =	vadd.s32 $0xFFFFFFFF, v7  }
0xaf: {  	v7 =	vbroadcast v7, $0x0;
	_ =	sdelay $0x1  }
0xb0: {  	v8 =	vld [tilespmem:s11+$0xDC80];
	v6 =	vadd.s32 v6, v7;
	_ =	sdelay $0x1  }
0xb1: {  	v7 =	vld [tilespmem:s11+$0xF080];
	_ =	sdelay $0x2  }
0xb2: {  	[tilespmem:v6+s13+$0x0] =	vst.idx.msk vm0, v8;
	s12 =	spop (v2sf)  }
0xb3: {  	[tilespmem:v6+s14+$0x0] =	vst.idx.msk vm0, v5;
	s2 =	sadd.s32 s2, s12  }
0xb4: {  	[tilespmem:v6+s15+$0x0] =	vst.idx.msk vm0, v7;
	s5 =	sadd.s32 $0x3F, s2  }
0xb5: {  	[tilespmem:s2+$0xFA80] =	vst v2;
	s23 =	sand.u32 $0x3F, s5  }
0xb6: {  	[tilespmem:s2+$0x10500] =	vst v3;
	s24 =	sshra.s32 s5, $0x1F;
	p2 =	slt.s32 s5, $0x1;
	p1 =	sne.s32 s23, $0x0  }
0xb7: {  	[tilespmem:s2+$0x10F80] =	vst v0;
	s11 =	sshrl.u32 s24, $0x1A;
	p1 =	por !p2, !p1  }
0xb8: {  	[tilespmem:s2+$0xFA90] =	vst v2;
	s5 =	sadd.s32 s11, s5;
	s11 =	simm.s32 $0x1;
	p1 =	por !p1, !p1  }
0xb9: {  	[tilespmem:s2+$0x10510] =	vst v3;
	s5 =	sshra.s32 s5, $0x6;
	s11 =	simm.s32 @!p1 $0x0  }
0xba: {  	[tilespmem:s2+$0x10F90] =	vst v0;
	s31 =	ssub.s32 s5, s11  }
0xbb: {  	[tilespmem:s2+$0xFAA0] =	vst v2;
	p1 =	slt.s32 s31, $0x1  }
.Ltmp4:
0xbc: {  	[tilespmem:s2+$0x10520] =	vst v3;
	(pc) =	sbr.rel @p1 .LBB2_13-.Ltmp4, $4  }
0xbd: {  	[tilespmem:s2+$0x10FA0] =	vst v0  }
0xbe: {  	[tilespmem:s2+$0xFAB0] =	vst v2  }
0xbf: {  	[tilespmem:s2+$0x10530] =	vst v3  }
0xc0: {  	[tilespmem:s2+$0x10FB0] =	vst v0  }
0xc1: {  	s24 =	simm.s32 $0x0;
	s23 =	simm.s32 $0x0  }
.LBB2_10:
0xc2: {  	s2 =	sshll.u32 s23, $0x6  }
0xc3: {  	v5 =	vld [tilespmem:s2+$0x10500];
	_ =	sdelay $0x4  }
0xc4: {  	[tilespmem:$0x13A00] =	vst v5  }
0xc5: {  	v5 =	vld [tilespmem:s2+$0x10510];
	_ =	sdelay $0x4  }
0xc6: {  	[tilespmem:$0x13A10] =	vst v5  }
0xc7: {  	v5 =	vld [tilespmem:s2+$0x10520];
	_ =	sdelay $0x4  }
0xc8: {  	[tilespmem:$0x13A20] =	vst v5  }
0xc9: {  	v5 =	vld [tilespmem:s2+$0x10530];
	_ =	sdelay $0x4  }
0xca: {  	s5 =	sadd.s32 $0xFA80, s2;
	s2 =	sadd.s32 $0x10F80, s2;
	[tilespmem:$0x13A30] =	vst v5  }
0xcb: {  	v5 =	vmov s2;
	[tilespmem:s17], [sflag:$0x2] =	stream.indirect.gather [hbm4b:s1+s16], $0x80, s5, s16, $0xb8;
	[tilespmem:$0x1BA80] =	vst v63  }
0xcc: {  	_ =	swait.ge [sflag:s18], $0x2000  }
0xcd: {  	[sflag:s18] =	ssyncset.done $0x0  }
0xce: {  	s2 =	simm.s32 $0x11A40;
	[sflag:s18] =	ssyncadd.s32 $0xFFFFE000  }
0xcf: {  	s12 =	sand.u32 $0x30, s24;
	v10 =	vld [tilespmem:s2+$0x30]  }
0xd0: {  	v7 =	vld.idx.msk [tilespmem:v5+s12+$0x0 ss:$0x1], $0xffff  }
0xd1: {  	v13 =	vld [tilespmem:s2+$0x10]  }
0xd2: {  	v11 =	vld [tilespmem:s2+$0xFFFFFFC0]  }
0xd3: {  	v15 =	vld [tilespmem:s2+$0xFFFFFFE0]  }
0xd4: {  	v8 =	vmov s24;
	v6 =	vld [tilespmem:s2+$0xFFFFFFF0]  }
0xd5: {  	v9 =	vld [tilespmem:s2+$0xFFFFFFD0];
	v7 =	vperm.xlane v7, v8  }
0xd6: {  	v8 =	vld [tilespmem:s2+$0x20]  }
0xd7: {  	v14 =	vmul.f32 v10, v7;
	v10 =	vld [tilespmem:s2+$0x0]  }
0xd8: {  	v12 =	vmul.f32 v11, v7  }
0xd9: {  	s11 =	simm.s32 $0x11A40;
	s5 =	simm.s32 $0x1;
	v11 =	vmul.f32 v15, v7;
	v13 =	vmul.f32 v13, v7  }
.LBB2_11:
0xda: {  	p1 =	sne.s32 s5, $0x3F  }
0xdb: {  	v9 =	vmul.f32 v9, v7;
	v8 =	vmul.f32 v8, v7;
	[tilespmem:s2+$0x30] =	vst v14;
	s11 =	sadd.s32 $0x80, s11;
	s10 =	smov.u32 s5;
	s5 =	sadd.s32 $0x1, s5  }
0xdc: {  	v6 =	vmul.f32 v6, v7;
	[tilespmem:s2+$0xFFFFFFC0] =	vst v12;
	v7 =	vmul.f32 v10, v7  }
0xdd: {  	[tilespmem:s2+$0x10] =	vst v13  }
0xde: {  	[tilespmem:s2+$0xFFFFFFE0] =	vst v11  }
0xdf: {  	[tilespmem:s2+$0xFFFFFFF0] =	vst v6  }
0xe0: {  	[tilespmem:s2+$0x0] =	vst v7  }
0xe1: {  	v6 =	vld [tilespmem:s11+$0xFFFFFFF0];
	[tilespmem:s2+$0x20] =	vst v8  }
0xe2: {  	s12 =	sand.u32 $0x30, s10;
	v11 =	vld [tilespmem:s11+$0x30];
	[tilespmem:s2+$0xFFFFFFD0] =	vst v9;
	s2 =	smov.u32 s11  }
0xe3: {  	v7 =	vld.idx.msk [tilespmem:v5+s12+$0x0 ss:$0x1], $0xffff  }
0xe4: {  	v13 =	vld [tilespmem:s11+$0x10]  }
0xe5: {  	v12 =	vld [tilespmem:s11+$0xFFFFFFC0]  }
0xe6: {  	v15 =	vld [tilespmem:s11+$0xFFFFFFE0]  }
0xe7: {  	v8 =	vld [tilespmem:s11+$0x20]  }
.Ltmp5:
0xe8: {  	v10 =	vmov s10;
	v9 =	vld [tilespmem:s11+$0xFFFFFFD0];
	(pc) =	sbr.rel @p1 .LBB2_11-.Ltmp5, $3  }
0xe9: {  	v7 =	vperm.xlane v7, v10;
	v10 =	vld [tilespmem:s11+$0x0];
	_ =	sdelay $0x1  }
0xea: {  	v12 =	vmul.f32 v12, v7;
	v14 =	vmul.f32 v11, v7  }
0xeb: {  	v13 =	vmul.f32 v13, v7;
	v11 =	vmul.f32 v15, v7  }
0xec: {  	[tilespmem:s2+$0x30] =	vst v14  }
0xed: {  	[tilespmem:s2+$0xFFFFFFC0] =	vst v12  }
0xee: {  	v5 =	vmul.f32 v6, v7;
	[tilespmem:s2+$0x10] =	vst v13  }
0xef: {  	v8 =	vmul.f32 v8, v7;
	[tilespmem:s2+$0xFFFFFFE0] =	vst v11  }
0xf0: {  	v6 =	vmul.f32 v10, v7;
	[tilespmem:s2+$0xFFFFFFF0] =	vst v5  }
0xf1: {  	v5 =	vmul.f32 v9, v7;
	[tilespmem:s2+$0x20] =	vst v8  }
0xf2: {  	[tilespmem:s2+$0x0] =	vst v6  }
0xf3: {  	[tilespmem:s2+$0xFFFFFFD0] =	vst v5  }
0xf4: {  	[spmem:s3] =	stream.indirect.scatter.add.f32 [tilespmem:s17], [sflag:$0x2], $0x80, s19, s16, $0xb8;
	[tilespmem:$0x1BA80] =	vst v63  }
0xf5: {  	s5 =	simm.s32 @!p0 $0x13A00;
	_ =	swait.ge [sflag:s18], $0x2000  }
0xf6: {  	s10 =	simm.s32 @!p0 $0x17A80;
	s23 =	sadd.s32 $0x1, s23;
	[sflag:s18] =	ssyncset.done $0x0  }
0xf7: {  	p1 =	sne.s32 s23, s31;
	s2 =	simm.s32 @!p0 $0x40;
	[sflag:s18] =	ssyncadd.s32 $0xFFFFE000  }
0xf8: {  	[spmem:s4] =	stream.indirect.scatter.add.f32 @!p0 [tilespmem:s10], [sflag:$0x1], $0x10, s5, s2, $0xb8;
	[tilespmem:$0x1BA80] =	vst v63  }
.Ltmp6:
0xf9: {  	_ = 	snop;
	(pc) =	sbr.rel @p1 .LBB2_10-.Ltmp6, $4  }
.Ltmp7:
0xfa: {  	s2 =	simm.s32 @!p0 $0x1;
	(pc) =	sbr.rel @!p1 .LBB2_13-.Ltmp7, $4  }
0xfb: {  	_ =	swait.ge @!p0 [sflag:s2], $0x400  }
0xfc: {  	[sflag:s2] =	ssyncset.done @!p0 $0x0  }
0xfd: {  	[sflag:s2] =	ssyncadd.s32 @!p0 $0xFFFFFC00  }
0xfe: {  	_ = 	snop  }
.LBB2_14:
0xff: {  	s2 =	rddreg [dreg:$0x18];
	[bflag:$0x0] =	sbarrier.arrive $0xFFFF  }
0x100: {  	s25 =	simm.s32 $0x0;
	s11 =	simm.s32 $0x0;
	s24 =	smul.u32 $0x1880, s2  }
.LBB2_15:
0x101: {  	s2 =	smul.u32 $0x38, s25;
	_ =	sdelay $0x1  }
0x102: {  	s29 =	sadd.s32 s26, s2  }
0x103: {  	s2 =	sshll.u32 s29, $0x7  }
0x104: {  	s5 =	sadd.s32 s2, s3  }
0x105: {  	[tilespmem:s17], [sflag:$0x1] =	stream.linear.gather [spmem:s5], $0x1C00, $0x38;
	[tilespmem:$0x1BA80] =	vst v63  }
0x106: {  	_ =	swait.ge [sflag:s30], $0x1C00  }
0x107: {  	[sflag:s30] =	ssyncset.done $0x0  }
0x108: {  	s2 =	sadd.s32 s2, s4;
	[sflag:s30] =	ssyncadd.s32 $0xFFFFE400  }
0x109: {  	[tilespmem:s20], [sflag:$0x1] =	stream.linear.gather [spmem:s2], $0x1C00, $0x38;
	[tilespmem:$0x1BA80] =	vst v63  }
0x10a: {  	_ =	swait.ge [sflag:s30], $0x1C00  }
0x10b: {  	[sflag:s30] =	ssyncset.done $0x0  }
0x10c: {  	s2 =	simm.s32 $0x0;
	[sflag:s30] =	ssyncadd.s32 $0xFFFFE400  }
0x10d: {  	v4 =	vld [tilespmem:s2+$0x13A80];
	_ =	sdelay $0x4  }
0x10e: {  	v4 =	vmax.f32 v4, $1.000000000e+00  }
0x10f: {  	(erf) = vrcp.f32 v4;
	_ =	sdelay $0x2  }
0x110: {  	s23 =	simm.s32 $0x80  }
0x111: {  	v4 =	vld [tilespmem:s23+$0x13A80];
	_ =	sdelay $0x1  }
0x112: {  	v5 =	vld [tilespmem:s2+$0x11A00]  }
0x113: {  	v6 =	vld [tilespmem:s2+$0x11A10]  }
0x114: {  	v8 =	vld [tilespmem:s2+$0x11A30]  }
0x115: {  	v9 =	vld [tilespmem:s2+$0x11A20];
	v4 =	vmax.f32 v4, $1.000000000e+00;
	v7 =	vpop (erf)  }
0x116: {  	v10 =	vld [tilespmem:s2+$0x11A40];
	(erf) = vrcp.f32 v4;
	v11 =	vpsel p0, $0x3F800000, v7  }
0x117: {  	v12 =	vld [tilespmem:s2+$0x11A50];
	v5 =	vmul.f32 v11, v5  }
0x118: {  	s31 =	simm.s32 $0x100;
	v13 =	vld [tilespmem:s2+$0x11A60]  }
0x119: {  	v14 =	vld [tilespmem:s31+$0x13A80];
	[tilespmem:s2+$0x11A00] =	vst v5;
	v5 =	vmul.f32 v11, v6  }
0x11a: {  	v15 =	vld [tilespmem:s2+$0x11A70];
	v4 =	vmul.f32 v8, v11  }
0x11b: {  	v8 =	vmul.f32 v9, v11;
	v7 =	vld [tilespmem:s23+$0x11A00];
	[tilespmem:s2+$0x11A10] =	vst v5  }
0x11c: {  	v6 =	vld [tilespmem:s23+$0x11A10];
	[tilespmem:s2+$0x11A30] =	vst v4;
	v4 =	vmul.f32 v10, v11  }
0x11d: {  	v10 =	vmul.f32 v12, v11;
	v5 =	vld [tilespmem:s23+$0x11A30];
	[tilespmem:s2+$0x11A20] =	vst v8  }
0x11e: {  	v62 =	vmul.f32 v13, v11;
	v9 =	vld [tilespmem:s23+$0x11A20];
	[tilespmem:s2+$0x11A40] =	vst v4;
	v4 =	vmax.f32 v14, $1.000000000e+00  }
0x11f: {  	v11 =	vmul.f32 v15, v11;
	v63 =	vpop (erf);
	v8 =	vld [tilespmem:s23+$0x11A40];
	[tilespmem:s2+$0x11A50] =	vst v10;
	(erf) = vrcp.f32 v4  }
0x120: {  	s5 =	simm.s32 $0x600;
	v4 =	vpsel p0, $0x3F800000, v63;
	v10 =	vld [tilespmem:s23+$0x11A50];
	[tilespmem:s2+$0x11A60] =	vst v62  }
.LBB2_16:
0x121: {  	s10 =	sshra.s32 s5, $0x2;
	p1 =	sne.s32 s5, $0x6E00;
	s5 =	sadd.s32 $0x200, s5;
	v7 =	vmul.f32 v4, v7;
	v12 =	vld [tilespmem:s23+$0x11A60];
	[tilespmem:s2+$0x11A70] =	vst v11  }
0x122: {  	v6 =	vmul.f32 v4, v6;
	s2 =	smov.u32 s23;
	s23 =	smov.u32 s31;
	v11 =	vld [tilespmem:s10+$0x13A80];
	s31 =	smov.u32 s10  }
0x123: {  	v5 =	vmul.f32 v5, v4;
	[tilespmem:s2+$0x11A00] =	vst v7;
	v9 =	vmul.f32 v9, v4;
	v13 =	vld [tilespmem:s2+$0x11A70]  }
0x124: {  	v7 =	vld [tilespmem:s23+$0x11A00];
	[tilespmem:s2+$0x11A10] =	vst v6;
	v8 =	vmul.f32 v8, v4  }
.Ltmp8:
0x125: {  	v6 =	vld [tilespmem:s23+$0x11A10];
	[tilespmem:s2+$0x11A30] =	vst v5;
	v10 =	vmul.f32 v10, v4;
	(pc) =	sbr.rel @p1 .LBB2_16-.Ltmp8, $4  }
0x126: {  	v5 =	vld [tilespmem:s23+$0x11A30];
	[tilespmem:s2+$0x11A20] =	vst v9;
	v12 =	vmul.f32 v12, v4  }
0x127: {  	v11 =	vmax.f32 v11, $1.000000000e+00;
	v9 =	vld [tilespmem:s23+$0x11A20];
	[tilespmem:s2+$0x11A40] =	vst v8  }
0x128: {  	(erf) = vrcp.f32 v11;
	v8 =	vld [tilespmem:s23+$0x11A40];
	v14 =	vpop (erf);
	[tilespmem:s2+$0x11A50] =	vst v10;
	v11 =	vmul.f32 v13, v4  }
0x129: {  	v4 =	vpsel p0, $0x3F800000, v14;
	v10 =	vld [tilespmem:s23+$0x11A50];
	[tilespmem:s2+$0x11A60] =	vst v12  }
0x12a: {  	_ = 	snop  }
0x12b: {  	v7 =	vmul.f32 v4, v7  }
0x12c: {  	v12 =	vld [tilespmem:s23+$0x11A60];
	[tilespmem:s2+$0x11A70] =	vst v11;
	v6 =	vmul.f32 v4, v6  }
0x12d: {  	v58 =	vld [tilespmem:s23+$0x11A70];
	v5 =	vmul.f32 v5, v4;
	[tilespmem:s23+$0x11A00] =	vst v7  }
0x12e: {  	v9 =	vmul.f32 v9, v4;
	v11 =	vld [tilespmem:s31+$0x11A00];
	[tilespmem:s23+$0x11A10] =	vst v6  }
0x12f: {  	v8 =	vmul.f32 v8, v4;
	v6 =	vld [tilespmem:s31+$0x11A10];
	[tilespmem:s23+$0x11A30] =	vst v5  }
0x130: {  	v10 =	vmul.f32 v10, v4;
	v5 =	vld [tilespmem:s31+$0x11A30];
	[tilespmem:s23+$0x11A20] =	vst v9  }
0x131: {  	v12 =	vmul.f32 v12, v4;
	v9 =	vld [tilespmem:s31+$0x11A20];
	[tilespmem:s23+$0x11A40] =	vst v8;
	v59 =	vpop (erf)  }
0x132: {  	v4 =	vmul.f32 v58, v4;
	v8 =	vld [tilespmem:s31+$0x11A40];
	[tilespmem:s23+$0x11A50] =	vst v10;
	v60 =	vpsel p0, $0x3F800000, v59  }
0x133: {  	v13 =	vld [tilespmem:s31+$0x11A50];
	[tilespmem:s23+$0x11A60] =	vst v12;
	v10 =	vmul.f32 v60, v11  }
0x134: {  	v61 =	vld [tilespmem:s31+$0x11A60];
	[tilespmem:s23+$0x11A70] =	vst v4;
	v4 =	vmul.f32 v60, v6  }
0x135: {  	v5 =	vmul.f32 v5, v60;
	v62 =	vld [tilespmem:s31+$0x11A70];
	[tilespmem:s31+$0x11A00] =	vst v10  }
0x136: {  	v9 =	vmul.f32 v9, v60;
	[tilespmem:s31+$0x11A10] =	vst v4  }
0x137: {  	v4 =	vmul.f32 v8, v60;
	[tilespmem:s31+$0x11A30] =	vst v5  }
0x138: {  	s29 =	sadd.s32 s24, s29;
	v5 =	vmul.f32 v13, v60;
	[tilespmem:s31+$0x11A20] =	vst v9  }
0x139: {  	s2 =	sshll.u32 s29, $0x7;
	v63 =	vmul.f32 v61, v60;
	[tilespmem:s31+$0x11A40] =	vst v4  }
0x13a: {  	s25 =	sadd.s32 $0x1, s25;
	s2 =	sadd.s32 s22, s2;
	[tilespmem:s31+$0x11A50] =	vst v5;
	v4 =	vmul.f32 v62, v60  }
0x13b: {  	p1 =	sne.s32 s25, $0x7;
	s2 =	sshrl.u32 s2, $0x3;
	[tilespmem:s31+$0x11A60] =	vst v63  }
.Ltmp9:
0x13c: {  	s2 =	sadd.s32 s9, s2;
	[tilespmem:s31+$0x11A70] =	vst v4;
	(pc) =	sbr.rel @p1 .LBB2_15-.Ltmp9, $4  }
0x13d: {  	[hbm4b:s2+s11] =	stream.linear.scatter [tilespmem:s17], [sflag:$0x1], $0x1C00, $0x38;
	[tilespmem:$0x1BA80] =	vst v63  }
0x13e: {  	_ =	swait.ge [sflag:s30], $0x1C00  }
0x13f: {  	[sflag:s30] =	ssyncset.done $0x0  }
0x140: {  	[sflag:s30] =	ssyncadd.s32 $0xFFFFE400  }
0x141: {  	s11 =	rddreg [dreg:$0x17]  }
0x142: {  	s11 =	sadd.s32 $0x1, s11  }
0x143: {  	p1 =	sne.s32 s11, $0x4  }
.Ltmp10:
0x144: {  	_ = 	snop;
	(pc) =	sbr.rel @p1 .LBB2_5-.Ltmp10, $2  }
0x145: {  	_ =	sdelay $0x1  }
0x146: {  	[bflag:$0x0] =	sbarrier.arrive $0xFFFF;
	_ =	sdelay $0x1  }
0x147: {  	s5 =	rddreg [dreg:$0x16]  }
0x148: {  	s5 =	sadd.s32 $0x1, s5  }
0x149: {  	p0 =	sne.s32 s5, $0x3  }
.Ltmp11:
0x14a: {  	_ = 	snop;
	(pc) =	sbr.rel @p0 .LBB2_4-.Ltmp11, $1  }
0x14b: {  	_ =	sdelay $0x3  }
0x14c: {  	s5 =	rddreg [dreg:$0x15]  }
0x14d: {  	s2 =	rddreg [dreg:$0x6];
	s5 =	sadd.s32 $0x1, s5  }
0x14e: {  	p0 =	sne.s32 s5, s2  }
.Ltmp12:
0x14f: {  	_ = 	snop;
	(pc) =	sbr.rel @p0 .LBB2_1-.Ltmp12, $1  }
0x150: {  	_ =	sdelay $0x3  }
0x151: {  	_ =	sfence.sel $0x180000  }
0x152: {  	[bflag:$0x0] =	sbarrier.arrive $0xFFFF  }
0x153: {  	_ =	strace $0x90000047  }
0x154: {  	s0 =	stileid.u32;
	[bflag:$0x2] =	sbarrier.arrive $0xFFFF  }
0x155: {  	p0 =	sne.s32 s0, $0x0;
	s0 =	rddreg [dreg:$0x4]  }
0x156: {  	s0 =	sadd.s32 @!p0 $0x100000, s0  }
0x157: {  	[sflag:s0] =	ssyncadd.tile.s32 @!p0 $0x1;
	_ =	shalt  }
.Lfunc_end2:
_tile_overlayer_lowered:
.L_overlay_start_2:
0x158: {  	(tag) =	ssettag $0x2  }
0x159: {  	s0 =	rddreg [dreg:$0x0];
	s2 =	stileid.u32  }
0x15a: {  	s1 =	rddreg [dreg:$0x1];
	p0 =	sne.s32 s2, $0x0  }
0x15b: {  	s3 =	rddreg [dreg:$0x2];
	[bflag:$0x3] =	sbarrier.arrive $0xFFFF;
	s2 =	simm.s32 @!p0 $0x1C01  }
0x15c: {  	[timem:s3], [sflag:s2] =	dma.local @!p0 [hbm:s0], s1  }
0x15d: {  	s0 =	simm.s32 @!p0 $0x1  }
0x15e: {  	_ =	swait.ge @!p0 [sflag:s0], s1  }
0x15f: {  	s1 =	ssub.s32 @!p0 $0x0, s1;
	[sflag:s0] =	ssyncset.done @!p0 $0x0  }
0x160: {  	[sflag:s0] =	ssyncadd.s32 @!p0 s1  }
0x161: {  	[bflag:$0x3] =	sbarrier.arrive $0xFFFF  }
0x162: {  	_ =	shalt  }

</sc_bundles>
